<compile_context>
chip_gen: v7x
topology: tpu7x:2x2x1
jax: 0.10.2.dev20260603
libtpu: 0.0.44.dev20260713+nightly
codegen_flags: <defaults>
</compile_context>

<pallas_src>
import jax
import jax.numpy as jnp
import numpy as np
from jax.experimental import pallas as pl
from jax.experimental.pallas import tpu as pltpu
from jax.experimental.pallas import tpu_sc as plsc

VOCAB = 8192
EMBED = 512
HIDDEN = 1024
SLOTS = 512
DIM = 128
HEADS = 4
TOPK = 8
B = 32
T = 32
N = B * T

_GW = 128
_HALF = EMBED // 2

_bf16 = jnp.bfloat16
_f32 = jnp.float32


def _bdot(a, b):
    return jnp.dot(a.astype(_bf16), b.astype(_bf16), preferred_element_type=_f32)


def _bdg(a, b, dims):
    return jax.lax.dot_general(a.astype(_bf16), b.astype(_bf16), dims,
                               preferred_element_type=_f32)


def _gather_embed(embed2, idx2d):
    mesh = plsc.VectorSubcoreMesh(core_axis_name="c", subcore_axis_name="s")

    @pl.kernel(
        out_type=jax.ShapeDtypeStruct((2 * N, _HALF), jnp.float32),
        mesh=mesh,
    )
    def gk(x_hbm, i_hbm, o_hbm):
        def body(i_vmem, o_vmem):
            pltpu.sync_copy(x_hbm.at[i_vmem.at[0]], o_vmem)

        pltpu.emit_pipeline(
            body,
            grid=(2 * N // _GW,),
            in_specs=[pl.BlockSpec((1, _GW), lambda i: (i, 0))],
            out_specs=[pl.BlockSpec((_GW, _HALF), lambda i: (i, 0))],
            core_axis_name=("c", "s"),
            dimension_semantics=(pltpu.PARALLEL,),
        )(i_hbm, o_hbm)

    return gk(embed2, idx2d)


def _softmax_topk(sc):
    iota = jax.lax.broadcasted_iota(jnp.int32, sc.shape, sc.ndim - 1)
    work = sc
    for _ in range(TOPK - 1):
        m = jnp.max(work, axis=-1, keepdims=True)
        first = jnp.min(jnp.where(work == m, iota, SLOTS), axis=-1, keepdims=True)
        work = jnp.where(iota == first, -jnp.inf, work)
    thresh = jnp.max(work, axis=-1, keepdims=True)
    m1 = jnp.max(sc, axis=-1, keepdims=True)
    z = jnp.where(sc >= thresh, jnp.exp(sc - m1), 0.0)
    return z / jnp.sum(z, axis=-1, keepdims=True)


def _scan_kernel(eg_ref, wx_ref, wh_ref, bh_ref, wkv_ref, bkv_ref,
                 m0_ref, sca_ref, h_out_ref, mem_scr, h_scr, r_scr):
    c_r = sca_ref[0, 0]
    c_w = sca_ref[0, 1]
    mem_scr[:] = jnp.broadcast_to(m0_ref[:][None], (B, SLOTS, DIM))
    h_scr[:] = jnp.zeros((B, HIDDEN), jnp.float32)
    r_scr[:] = jnp.zeros((B, DIM), jnp.float32)

    def step(t, _):
        h = h_scr[:]
        r = r_scr[:]
        e = eg_ref[pl.ds(t * B, B), :]
        ctrl = jnp.concatenate([e, r], axis=-1)
        h_new = jnp.tanh(_bdot(ctrl, wx_ref[:]) + _bdot(h, wh_ref[:]) + bh_ref[:])
        h_out_ref[pl.ds(t * B, B), :] = h_new
        kv = _bdot(h_new, wkv_ref[:]) + bkv_ref[:]
        g = jax.nn.sigmoid(kv[:, 3 * HEADS * DIM:3 * HEADS * DIM + 2 * HEADS])

        mem = mem_scr[:]
        rk = kv[:, :HEADS * DIM].reshape(B, HEADS, DIM)
        wk = kv[:, HEADS * DIM:2 * HEADS * DIM].reshape(B, HEADS, DIM)
        wv = jnp.tanh(kv[:, 2 * HEADS * DIM:3 * HEADS * DIM]).reshape(B, HEADS, DIM)
        sc = _bdg(rk, mem, (((2,), (2,)), ((0,), (0,)))) * c_r
        rw = _softmax_topk(sc)
        r_h = _bdg(rw, mem, (((2,), (1,)), ((0,), (0,))))
        read_new = (((r_h[:, 0] + r_h[:, 1]) + r_h[:, 2]) + r_h[:, 3]) * np.float32(0.25)
        scw = _bdg(wk, mem, (((2,), (2,)), ((0,), (0,)))) * c_w
        mw = jnp.max(scw, axis=-1, keepdims=True)
        zw = jnp.exp(scw - mw)
        ww = zw / jnp.sum(zw, axis=-1, keepdims=True)
        erase = g[:, :HEADS]
        addg = g[:, HEADS:]
        keep = 1.0 - ww[:, 0] * erase[:, 0:1]
        for hh in range(1, HEADS):
            keep = keep * (1.0 - ww[:, hh] * erase[:, hh:hh + 1])
        wwag = ww * addg[:, :, None]
        add = _bdg(wwag, wv, (((1,), (1,)), ((0,), (0,))))
        mem_scr[:] = mem * keep[:, :, None] + add
        r_scr[:] = read_new
        h_scr[:] = h_new
        return 0

    jax.lax.fori_loop(0, T, step, 0)


def _logits_kernel(h_ref, w_ref, b_ref, o_ref):
    o_ref[:] = _bdot(h_ref[:], w_ref[:]) + b_ref[:]


def kernel(input_seq, embed, W_x, W_h, b_h, W_out, b_out, W_if, b_if,
           beta_read, beta_write, M0):
    Wif3 = W_if.reshape(HIDDEN, HEADS, 3 * DIM + 2)
    bif3 = b_if.reshape(HEADS, 3 * DIM + 2)
    W_kv = jnp.concatenate(
        [
            Wif3[:, :, :DIM].reshape(HIDDEN, HEADS * DIM),
            Wif3[:, :, DIM:2 * DIM].reshape(HIDDEN, HEADS * DIM),
            Wif3[:, :, 2 * DIM:3 * DIM].reshape(HIDDEN, HEADS * DIM),
            Wif3[:, :, 3 * DIM],
            Wif3[:, :, 3 * DIM + 1],
        ],
        axis=1,
    )
    b_kv = jnp.concatenate(
        [
            bif3[:, :DIM].reshape(HEADS * DIM),
            bif3[:, DIM:2 * DIM].reshape(HEADS * DIM),
            bif3[:, 2 * DIM:3 * DIM].reshape(HEADS * DIM),
            bif3[:, 3 * DIM],
            bif3[:, 3 * DIM + 1],
        ]
    )[None, :]
    isd = np.float32(1.0 / np.sqrt(DIM))
    inf32 = jnp.float32(jnp.inf)
    scales = jnp.stack(
        [jnp.nextafter(jnp.logaddexp(beta_read, 0.0), inf32) * isd,
         jnp.nextafter(jnp.logaddexp(beta_write, 0.0), inf32) * isd]
    ).reshape(1, 2)

    idx = input_seq.T.reshape(-1).astype(jnp.int32)
    idx2d = (idx[:, None] * 2 + jnp.arange(2, dtype=jnp.int32)[None, :]).reshape(
        2 * N // _GW, _GW
    )
    Eg = _gather_embed(embed.reshape(2 * VOCAB, _HALF), idx2d).reshape(N, EMBED)

    Hmat = pl.pallas_call(
        _scan_kernel,
        out_shape=jax.ShapeDtypeStruct((N, HIDDEN), jnp.float32),
        scratch_shapes=[
            pltpu.VMEM((B, SLOTS, DIM), jnp.float32),
            pltpu.VMEM((B, HIDDEN), jnp.float32),
            pltpu.VMEM((B, DIM), jnp.float32),
        ],
    )(Eg, W_x, W_h, b_h[None, :], W_kv, b_kv, M0, scales)

    VB = 8
    VBLK = VOCAB // VB
    logits = pl.pallas_call(
        _logits_kernel,
        grid=(VB,),
        in_specs=[
            pl.BlockSpec((N, HIDDEN), lambda i: (0, 0)),
            pl.BlockSpec((HIDDEN, VBLK), lambda i: (0, i)),
            pl.BlockSpec((1, VBLK), lambda i: (0, i)),
        ],
        out_specs=pl.BlockSpec((N, VBLK), lambda i: (0, i)),
        out_shape=jax.ShapeDtypeStruct((N, VOCAB), jnp.float32),
    )(Hmat, W_out, b_out[None, :])

    return logits.reshape(T, B, VOCAB).transpose(1, 0, 2)

# --- scband reference (transcript-rebuilt; emitter-appended) ---
"""Pipeline reference for scband-mem-net-70428873720088 (READ-ONLY COPY).

The authoritative reference and input builder live on the scoring server;
editing this copy changes nothing except your own understanding.
"""

import jax, jax.numpy as jnp
import numpy as np

VOCAB = 8192
EMBED = 512
HIDDEN = 1024
SLOTS = 512
DIM = 128
HEADS = 4
TOPK = 8
B = 32
T = 32


def _softplus(x):
    return jnp.logaddexp(x, 0.0)


def setup_inputs(seed: int = 0) -> dict:
    key = jax.random.key(seed)
    ks = jax.random.split(key, 8)
    inp = {}
    inp["input_seq"] = jax.random.randint(ks[0], (B, T), 0, VOCAB)
    inp["embed"] = jax.random.normal(ks[1], (VOCAB, EMBED), jnp.float32) * 0.02
    inp["W_x"] = jax.random.normal(ks[2], (EMBED + DIM, HIDDEN), jnp.float32) * (1.0 / np.sqrt(EMBED + DIM))
    inp["W_h"] = jax.random.normal(ks[3], (HIDDEN, HIDDEN), jnp.float32) * (1.0 / np.sqrt(HIDDEN))
    inp["b_h"] = jnp.zeros((HIDDEN,), jnp.float32)
    inp["W_out"] = jax.random.normal(ks[4], (HIDDEN, VOCAB), jnp.float32) * (1.0 / np.sqrt(HIDDEN))
    inp["b_out"] = jnp.zeros((VOCAB,), jnp.float32)
    inp["W_if"] = jax.random.normal(ks[5], (HIDDEN, HEADS * (3 * DIM + 2)), jnp.float32) * (1.0 / np.sqrt(HIDDEN))
    inp["b_if"] = jnp.zeros((HEADS * (3 * DIM + 2),), jnp.float32)
    inp["beta_read"] = jnp.asarray(1.0, jnp.float32)
    inp["beta_write"] = jnp.asarray(1.0, jnp.float32)
    inp["M0"] = jax.random.normal(ks[6], (SLOTS, DIM), jnp.float32) * 0.05
    return inp


def reference(input_seq, embed, W_x, W_h, b_h, W_out, b_out, W_if, b_if, beta_read, beta_write, M0):
    Bq, Tq = input_seq.shape
    memory0 = jnp.broadcast_to(M0[None], (Bq, SLOTS, DIM))
    h0 = jnp.zeros((Bq, HIDDEN), jnp.float32)
    r0 = jnp.zeros((Bq, DIM), jnp.float32)
    beta_r = _softplus(beta_read)
    beta_w = _softplus(beta_write)
    inv_sqrt_d = np.float32(1.0 / np.sqrt(DIM))

    def step(carry, x_t):
        memory, h, read_vec = carry
        # Controller
        e = jnp.take(embed, x_t, axis=0)
        ctrl_in = jnp.concatenate([e, read_vec], axis=-1)
        h_new = jnp.tanh(ctrl_in @ W_x + h @ W_h + b_h)
        logits = h_new @ W_out + b_out
        iface = (h_new @ W_if + b_if).reshape(Bq, HEADS, 3 * DIM + 2)
        read_key = iface[..., :DIM]
        write_key = iface[..., DIM:2 * DIM]
        write_val = jnp.tanh(iface[..., 2 * DIM:3 * DIM])
        erase = jax.nn.sigmoid(iface[..., 3 * DIM])
        add_gate = jax.nn.sigmoid(iface[..., 3 * DIM + 1])
        # Multi-head read with top-k sparse softmax addressing
        sc = jnp.einsum('bsd,bhd->bhs', memory, read_key) * inv_sqrt_d
        sc = beta_r * sc
        top_vals, _ = jax.lax.top_k(sc, TOPK)
        thresh = top_vals[..., -1:]
        masked = jnp.where(sc >= thresh, sc, -jnp.inf)
        rw = jax.nn.softmax(masked, axis=-1)
        r_h = jnp.einsum('bhs,bsd->bhd', rw, memory)
        read_new = jnp.mean(r_h, axis=1)
        # Multi-head erase/add write (NTM-style)
        scw = jnp.einsum('bsd,bhd->bhs', memory, write_key) * inv_sqrt_d
        ww = jax.nn.softmax(beta_w * scw, axis=-1)
        keep = jnp.prod(1.0 - ww * erase[..., None], axis=1)
        add = jnp.einsum('bhs,bhd->bsd', ww * add_gate[..., None], write_val)
        memory_new = memory * keep[..., None] + add
        return (memory_new, h_new, read_new), logits

    _, logits_seq = jax.lax.scan(step, (memory0, h0, r0), jnp.transpose(input_seq, (1, 0)))
    return jnp.transpose(logits_seq, (1, 0, 2))

if __name__ == "__main__":
    import jax
    _d = setup_inputs()
    print(jax.jit(kernel)(*tuple(_d.values())))

</pallas_src>

<mosaic_0001>
#map = affine_map<(d0, d1) -> (0, 0)>
module attributes {stable_mosaic.version = 14 : i64} {
  func.func @gk(%arg0: i32, %arg1: i32, %arg2: memref<16384x256xf32, #tpu.memory_space<hbm>>, %arg3: memref<16x128xi32, #tpu.memory_space<hbm>>, %arg4: memref<2048x256xf32, #tpu.memory_space<hbm>>) attributes {dimension_semantics = [#tpu.dimension_semantics<core_parallel>, #tpu.dimension_semantics<subcore_parallel>], iteration_bounds = array<i64: 2, 16>, scalar_prefetch = 0 : i64, scratch_operands = 0 : i64, tpu.core_type = #tpu.core_type<sc_vector_subcore>, window_params = [{transform_indices = #map}, {transform_indices = #map}, {transform_indices = #map}]} {
    %mul3A = arith.constant 1 : i32
    %mul3A_0 = arith.muli %arg1, %mul3A : i32
    %add3A = arith.constant 0 : i32
    %add3A_1 = arith.addi %add3A, %mul3A_0 : i32
    %mul3A_2 = arith.constant 16 : i32
    %mul3A_3 = arith.muli %arg0, %mul3A_2 : i32
    %add3A_4 = arith.addi %add3A_1, %mul3A_3 : i32
    %lt3A = arith.constant 16 : i32
    %lt3A_5 = arith.cmpi slt, %add3A_4, %lt3A : i32
    %jit3A = arith.constant 1 : i32
    %jit3A_6 = arith.constant 0 : i32
    %select_n3A = arith.select %lt3A_5, %jit3A, %jit3A_6 : i32
    %lt3A_7 = arith.constant 16 : i32
    %lt3A_8 = arith.cmpi slt, %add3A_4, %lt3A_7 : i32
    %mul3A_9 = arith.muli %add3A_4, %select_n3A : i32
    %mul3A_10 = arith.constant 0 : i32
    %mul3A_11 = arith.muli %add3A_4, %mul3A_10 : i32
    %add3A_12 = arith.constant 16 : i32
    %add3A_13 = arith.addi %mul3A_11, %add3A_12 : i32
    %select_n3A_14 = arith.select %lt3A_8, %mul3A_9, %add3A_13 : i32
    %mul3A_15 = arith.constant 1 : i32
    %mul3A_16 = arith.muli %mul3A_15, %select_n3A : i32
    "tpu.region"() ({
      %run_scoped3A = memref.alloca() : memref<2x1x128xi32, #tpu.memory_space<vmem>>
      %run_scoped3A_17 = tpu.sem_alloc : memref<2x!tpu.dma_semaphore, #tpu.memory_space<semaphore_mem>>
      %run_scoped3A_18 = memref.alloca() : memref<2x128x256xf32, #tpu.memory_space<vmem>>
      %run_scoped3A_19 = tpu.sem_alloc : memref<2x!tpu.dma_semaphore, #tpu.memory_space<semaphore_mem>>
      %gt3A = arith.constant 0 : i32
      %gt3A_20 = arith.cmpi sgt, %mul3A_16, %gt3A : i32
      %convert_element_type3A = arith.extui %gt3A_20 : i1 to i32
      %cond3A = arith.constant 0 : i32
      %cond3A_21 = arith.cmpi ne, %convert_element_type3A, %cond3A : i32
      scf.if %cond3A_21 {
        %mul3A_22 = arith.constant 1 : i32
        %mul3A_23 = arith.muli %mul3A_22, %select_n3A : i32
        %sub3A = arith.constant 1 : i32
        %sub3A_24 = arith.subi %mul3A_23, %sub3A : i32
        %eq3A = arith.constant 0 : i32
        %eq3A_25 = arith.cmpi eq, %sub3A_24, %eq3A : i32
        %add3A_26 = arith.constant 0 : i32
        %add3A_27 = arith.addi %add3A_26, %select_n3A_14 : i32
        %select_n3A_28 = arith.constant true
        %select_n3A_29 = arith.constant 0 : i32
        %select_n3A_30 = arith.constant -1 : i32
        %select_n3A_31 = arith.select %select_n3A_28, %select_n3A_30, %select_n3A_29 : i32
        %eq3A_32 = arith.constant -1 : i32
        %eq3A_33 = arith.cmpi eq, %select_n3A_31, %eq3A_32 : i32
        %sub3A_34 = arith.constant 1 : i32
        %sub3A_35 = arith.subi %select_n3A, %sub3A_34 : i32
        %select_n3A_36 = arith.select %eq3A_33, %sub3A_35, %select_n3A_31 : i32
        %add3A_37 = arith.addi %select_n3A_36, %select_n3A_14 : i32
        %select_n3A_38 = arith.constant true
        %select_n3A_39 = arith.constant 0 : i32
        %select_n3A_40 = arith.constant 1 : i32
        %select_n3A_41 = arith.select %select_n3A_38, %select_n3A_40, %select_n3A_39 : i32
        %eq3A_42 = arith.cmpi eq, %select_n3A_41, %select_n3A : i32
        %select_n3A_43 = arith.constant 0 : i32
        %select_n3A_44 = arith.select %eq3A_42, %select_n3A_43, %select_n3A_41 : i32
        %add3A_45 = arith.addi %select_n3A_44, %select_n3A_14 : i32
        %add3A_46 = arith.constant 1 : i32
        %add3A_47 = arith.addi %select_n3A_44, %add3A_46 : i32
        %select_n3A_48 = arith.constant true
        %select_n3A_49 = arith.select %select_n3A_48, %add3A_47, %select_n3A_44 : i32
        %eq3A_50 = arith.cmpi eq, %select_n3A_49, %select_n3A : i32
        %select_n3A_51 = arith.constant 0 : i32
        %select_n3A_52 = arith.select %eq3A_50, %select_n3A_51, %select_n3A_49 : i32
        %add3A_53 = arith.addi %select_n3A_52, %select_n3A_14 : i32
        "tpu.trace_start"() <{level = 10 : i32, message = "ep_initialize_0"}> : () -> ()
        %rem3A = arith.constant 0 : i32
        %rem3A_54 = arith.constant 2 : i32
        %rem3A_55 = arith.remui %rem3A, %rem3A_54 : i32
        %mul3A_56 = arith.constant 1 : i32
        %mul3A_57 = arith.muli %mul3A_56, %add3A_27 : i32
        %dma_start3A = arith.constant 0 : i32
        %dma_start3A_58 = arith.constant 0 : i32
        %dma_start3A_59 = tpu.memref_slice %run_scoped3A[%rem3A_55, %dma_start3A, %dma_start3A_58] : memref<2x1x128xi32, #tpu.memory_space<vmem>> -> memref<1x1x128xi32, #tpu.memory_space<vmem>>
        %dma_start3A_60 = tpu.memref_squeeze %dma_start3A_59 : memref<1x1x128xi32, #tpu.memory_space<vmem>> -> memref<1x128xi32, #tpu.memory_space<vmem>>
        %dma_start3A_61 = arith.constant 0 : i32
        %dma_start3A_62 = tpu.memref_slice %arg3[%mul3A_57, %dma_start3A_61] : memref<16x128xi32, #tpu.memory_space<hbm>> -> memref<1x128xi32, #tpu.memory_space<hbm>>
        %dma_start3A_63 = tpu.memref_slice %run_scoped3A_17[%rem3A_55] : memref<2x!tpu.dma_semaphore, #tpu.memory_space<semaphore_mem>> -> memref<1x!tpu.dma_semaphore, #tpu.memory_space<semaphore_mem>>
        %dma_start3A_64 = tpu.memref_squeeze %dma_start3A_63 : memref<1x!tpu.dma_semaphore, #tpu.memory_space<semaphore_mem>> -> memref<!tpu.dma_semaphore, #tpu.memory_space<semaphore_mem>>
        %dma_start3A_65 = arith.constant 0 : i32
        %dma_start3A_66 = arith.constant 0 : i32
        %dma_start3A_67 = tpu.memref_slice %run_scoped3A[%rem3A_55, %dma_start3A_65, %dma_start3A_66] : memref<2x1x128xi32, #tpu.memory_space<vmem>> -> memref<1x1x128xi32, #tpu.memory_space<vmem>>
        %dma_start3A_68 = tpu.memref_squeeze %dma_start3A_67 : memref<1x1x128xi32, #tpu.memory_space<vmem>> -> memref<1x128xi32, #tpu.memory_space<vmem>>
        %dma_start3A_69 = arith.constant 0 : i32
        %dma_start3A_70 = tpu.memref_slice %arg3[%mul3A_57, %dma_start3A_69] : memref<16x128xi32, #tpu.memory_space<hbm>> -> memref<1x128xi32, #tpu.memory_space<hbm>>
        tpu.enqueue_dma source(%dma_start3A_70 : memref<1x128xi32, #tpu.memory_space<hbm>>) target(%dma_start3A_68 : memref<1x128xi32, #tpu.memory_space<vmem>>) target_semaphore(%dma_start3A_64 : memref<!tpu.dma_semaphore, #tpu.memory_space<semaphore_mem>>)
        %add3A_71 = arith.constant 0 : i32
        %add3A_72 = arith.constant 1 : i32
        %add3A_73 = arith.addi %add3A_71, %add3A_72 : i32
        %select_n3A_74 = arith.constant true
        %select_n3A_75 = arith.constant 0 : i32
        %select_n3A_76 = arith.select %select_n3A_74, %add3A_73, %select_n3A_75 : i32
        %while3A = arith.constant 0 : i32
        %while3A_77 = arith.constant 0 : i32
        %while3A_78 = arith.constant 0 : i32
        %while3A_79 = arith.constant 0 : i32
        %while3A_80 = arith.constant 0 : i32
        "tpu.trace_stop"() : () -> ()
        %while3A_81 = arith.subi %mul3A_16, %while3A : i32
        %while3A_82 = arith.addi %while3A, %while3A_81 : i32
        %while3A_83 = arith.constant 1 : i32
        %while3A_84 = arith.divsi %while3A_81, %while3A_83 : i32
        %while3A_85 = arith.muli %while3A_84, %while3A_83 : i32
        %while3A_86 = arith.addi %while3A, %while3A_85 : i32
        %while3A_87 = arith.constant 1 : i32
        %while3A_88:5 = scf.for %while3A_142 = %while3A to %while3A_86 step %while3A_87 iter_args(%while3A_143 = %select_n3A_76, %while3A_144 = %while3A_77, %while3A_145 = %while3A_78, %while3A_146 = %while3A_79, %while3A_147 = %while3A_80) -> (i32, i32, i32, i32, i32)  : i32 {
          %mul3A_148 = arith.constant 1 : i32
          %mul3A_149 = arith.muli %mul3A_148, %select_n3A : i32
          %eq3A_150 = arith.constant 0 : i32
          %eq3A_151 = arith.cmpi eq, %while3A_142, %eq3A_150 : i32
          %sub3A_152 = arith.constant 1 : i32
          %sub3A_153 = arith.subi %mul3A_149, %sub3A_152 : i32
          %eq3A_154 = arith.cmpi eq, %while3A_142, %sub3A_153 : i32
          %add3A_155 = arith.addi %while3A_147, %select_n3A_14 : i32
          %sub3A_156 = arith.constant 1 : i32
          %sub3A_157 = arith.subi %while3A_147, %sub3A_156 : i32
          %select_n3A_158 = arith.constant true
          %select_n3A_159 = arith.select %select_n3A_158, %sub3A_157, %while3A_147 : i32
          %eq3A_160 = arith.constant -1 : i32
          %eq3A_161 = arith.cmpi eq, %select_n3A_159, %eq3A_160 : i32
          %sub3A_162 = arith.constant 1 : i32
          %sub3A_163 = arith.subi %select_n3A, %sub3A_162 : i32
          %select_n3A_164 = arith.select %eq3A_161, %sub3A_163, %select_n3A_159 : i32
          %add3A_165 = arith.addi %select_n3A_164, %select_n3A_14 : i32
          %add3A_166 = arith.constant 1 : i32
          %add3A_167 = arith.addi %while3A_147, %add3A_166 : i32
          %select_n3A_168 = arith.constant true
          %select_n3A_169 = arith.select %select_n3A_168, %add3A_167, %while3A_147 : i32
          %eq3A_170 = arith.cmpi eq, %select_n3A_169, %select_n3A : i32
          %select_n3A_171 = arith.constant 0 : i32
          %select_n3A_172 = arith.select %eq3A_170, %select_n3A_171, %select_n3A_169 : i32
          %add3A_173 = arith.addi %select_n3A_172, %select_n3A_14 : i32
          %add3A_174 = arith.constant 1 : i32
          %add3A_175 = arith.addi %select_n3A_172, %add3A_174 : i32
          %select_n3A_176 = arith.constant true
          %select_n3A_177 = arith.select %select_n3A_176, %add3A_175, %select_n3A_172 : i32
          %eq3A_178 = arith.cmpi eq, %select_n3A_177, %select_n3A : i32
          %select_n3A_179 = arith.constant 0 : i32
          %select_n3A_180 = arith.select %eq3A_178, %select_n3A_179, %select_n3A_177 : i32
          %add3A_181 = arith.addi %select_n3A_180, %select_n3A_14 : i32
          %ne3A = arith.cmpi ne, %add3A_155, %add3A_173 : i32
          %or3A = arith.constant false
          %or3A_182 = arith.ori %or3A, %ne3A : i1
          %or3A_183 = arith.constant false
          %or3A_184 = arith.ori %or3A_182, %or3A_183 : i1
          %sub3A_185 = arith.constant 2 : i32
          %sub3A_186 = arith.subi %mul3A_149, %sub3A_185 : i32
          %add3A_187 = arith.constant 1 : i32
          %add3A_188 = arith.addi %sub3A_186, %add3A_187 : i32
          %ge3A = arith.cmpi sge, %while3A_142, %add3A_188 : i32
          %not3A = arith.constant true
          %not3A_189 = arith.xori %ge3A, %not3A : i1
          %and3A = arith.andi %or3A_184, %not3A_189 : i1
          %convert_element_type3A_190 = arith.extui %and3A : i1 to i32
          %cond3A_191 = arith.constant 0 : i32
          %cond3A_192 = arith.cmpi ne, %convert_element_type3A_190, %cond3A_191 : i32
          scf.if %cond3A_192 {
            "tpu.trace_start"() <{level = 10 : i32, message = "ep_copy_in"}> : () -> ()
            %rem3A_304 = arith.constant 2 : i32
            %rem3A_305 = arith.remui %while3A_143, %rem3A_304 : i32
            %mul3A_306 = arith.constant 1 : i32
            %mul3A_307 = arith.muli %mul3A_306, %add3A_173 : i32
            %dma_start3A_308 = arith.constant 0 : i32
            %dma_start3A_309 = arith.constant 0 : i32
            %dma_start3A_310 = tpu.memref_slice %run_scoped3A[%rem3A_305, %dma_start3A_308, %dma_start3A_309] : memref<2x1x128xi32, #tpu.memory_space<vmem>> -> memref<1x1x128xi32, #tpu.memory_space<vmem>>
            %dma_start3A_311 = tpu.memref_squeeze %dma_start3A_310 : memref<1x1x128xi32, #tpu.memory_space<vmem>> -> memref<1x128xi32, #tpu.memory_space<vmem>>
            %dma_start3A_312 = arith.constant 0 : i32
            %dma_start3A_313 = tpu.memref_slice %arg3[%mul3A_307, %dma_start3A_312] : memref<16x128xi32, #tpu.memory_space<hbm>> -> memref<1x128xi32, #tpu.memory_space<hbm>>
            %dma_start3A_314 = tpu.memref_slice %run_scoped3A_17[%rem3A_305] : memref<2x!tpu.dma_semaphore, #tpu.memory_space<semaphore_mem>> -> memref<1x!tpu.dma_semaphore, #tpu.memory_space<semaphore_mem>>
            %dma_start3A_315 = tpu.memref_squeeze %dma_start3A_314 : memref<1x!tpu.dma_semaphore, #tpu.memory_space<semaphore_mem>> -> memref<!tpu.dma_semaphore, #tpu.memory_space<semaphore_mem>>
            %dma_start3A_316 = arith.constant 0 : i32
            %dma_start3A_317 = arith.constant 0 : i32
            %dma_start3A_318 = tpu.memref_slice %run_scoped3A[%rem3A_305, %dma_start3A_316, %dma_start3A_317] : memref<2x1x128xi32, #tpu.memory_space<vmem>> -> memref<1x1x128xi32, #tpu.memory_space<vmem>>
            %dma_start3A_319 = tpu.memref_squeeze %dma_start3A_318 : memref<1x1x128xi32, #tpu.memory_space<vmem>> -> memref<1x128xi32, #tpu.memory_space<vmem>>
            %dma_start3A_320 = arith.constant 0 : i32
            %dma_start3A_321 = tpu.memref_slice %arg3[%mul3A_307, %dma_start3A_320] : memref<16x128xi32, #tpu.memory_space<hbm>> -> memref<1x128xi32, #tpu.memory_space<hbm>>
            tpu.enqueue_dma source(%dma_start3A_321 : memref<1x128xi32, #tpu.memory_space<hbm>>) target(%dma_start3A_319 : memref<1x128xi32, #tpu.memory_space<vmem>>) target_semaphore(%dma_start3A_315 : memref<!tpu.dma_semaphore, #tpu.memory_space<semaphore_mem>>)
            "tpu.trace_stop"() : () -> ()
          } else {
          }
          %and3A_193 = arith.constant true
          %and3A_194 = arith.andi %and3A, %and3A_193 : i1
          %add3A_195 = arith.constant 1 : i32
          %add3A_196 = arith.addi %while3A_143, %add3A_195 : i32
          %select_n3A_197 = arith.select %and3A_194, %add3A_196, %while3A_143 : i32
          %ne3A_198 = arith.cmpi ne, %add3A_155, %add3A_173 : i32
          %or3A_199 = arith.constant false
          %or3A_200 = arith.ori %or3A_199, %ne3A_198 : i1
          %or3A_201 = arith.constant false
          %or3A_202 = arith.ori %or3A_200, %or3A_201 : i1
          %sub3A_203 = arith.constant 2 : i32
          %sub3A_204 = arith.subi %mul3A_149, %sub3A_203 : i32
          %add3A_205 = arith.constant 1 : i32
          %add3A_206 = arith.addi %sub3A_204, %add3A_205 : i32
          %ge3A_207 = arith.cmpi sge, %while3A_142, %add3A_206 : i32
          %not3A_208 = arith.constant true
          %not3A_209 = arith.xori %ge3A_207, %not3A_208 : i1
          %and3A_210 = arith.andi %or3A_202, %not3A_209 : i1
          %ne3A_211 = arith.cmpi ne, %add3A_155, %add3A_165 : i32
          %or3A_212 = arith.constant false
          %or3A_213 = arith.ori %or3A_212, %ne3A_211 : i1
          %or3A_214 = arith.constant false
          %or3A_215 = arith.ori %or3A_213, %or3A_214 : i1
          %or3A_216 = arith.ori %or3A_215, %eq3A_151 : i1
          %convert_element_type3A_217 = arith.extui %or3A_216 : i1 to i32
          %cond3A_218 = arith.constant 0 : i32
          %cond3A_219 = arith.cmpi ne, %convert_element_type3A_217, %cond3A_218 : i32
          scf.if %cond3A_219 {
            "tpu.trace_start"() <{level = 10 : i32, message = "ep_wait_in"}> : () -> ()
            %mul3A_304 = arith.constant 1 : i32
            %mul3A_305 = arith.muli %mul3A_304, %add3A_155 : i32
            %rem3A_306 = arith.constant 2 : i32
            %rem3A_307 = arith.remui %while3A_144, %rem3A_306 : i32
            %dma_wait3A = arith.constant 0 : i32
            %dma_wait3A_308 = arith.constant 0 : i32
            %dma_wait3A_309 = tpu.memref_slice %run_scoped3A[%rem3A_307, %dma_wait3A, %dma_wait3A_308] : memref<2x1x128xi32, #tpu.memory_space<vmem>> -> memref<1x1x128xi32, #tpu.memory_space<vmem>>
            %dma_wait3A_310 = tpu.memref_squeeze %dma_wait3A_309 : memref<1x1x128xi32, #tpu.memory_space<vmem>> -> memref<1x128xi32, #tpu.memory_space<vmem>>
            %dma_wait3A_311 = arith.constant 0 : i32
            %dma_wait3A_312 = tpu.memref_slice %arg3[%mul3A_305, %dma_wait3A_311] : memref<16x128xi32, #tpu.memory_space<hbm>> -> memref<1x128xi32, #tpu.memory_space<hbm>>
            %dma_wait3A_313 = tpu.memref_slice %run_scoped3A_17[%rem3A_307] : memref<2x!tpu.dma_semaphore, #tpu.memory_space<semaphore_mem>> -> memref<1x!tpu.dma_semaphore, #tpu.memory_space<semaphore_mem>>
            %dma_wait3A_314 = tpu.memref_squeeze %dma_wait3A_313 : memref<1x!tpu.dma_semaphore, #tpu.memory_space<semaphore_mem>> -> memref<!tpu.dma_semaphore, #tpu.memory_space<semaphore_mem>>
            %dma_wait3A_315 = arith.constant 0 : i32
            %dma_wait3A_316 = arith.constant 0 : i32
            %dma_wait3A_317 = tpu.memref_slice %run_scoped3A[%rem3A_307, %dma_wait3A_315, %dma_wait3A_316] : memref<2x1x128xi32, #tpu.memory_space<vmem>> -> memref<1x1x128xi32, #tpu.memory_space<vmem>>
            %dma_wait3A_318 = tpu.memref_squeeze %dma_wait3A_317 : memref<1x1x128xi32, #tpu.memory_space<vmem>> -> memref<1x128xi32, #tpu.memory_space<vmem>>
            %dma_wait3A_319 = arith.constant 0 : i32
            %dma_wait3A_320 = tpu.memref_slice %arg3[%mul3A_305, %dma_wait3A_319] : memref<16x128xi32, #tpu.memory_space<hbm>> -> memref<1x128xi32, #tpu.memory_space<hbm>>
            tpu.wait_dma2 semaphore(%dma_wait3A_314 : memref<!tpu.dma_semaphore, #tpu.memory_space<semaphore_mem>>) src(%dma_wait3A_320 : memref<1x128xi32, #tpu.memory_space<hbm>>) dst(%dma_wait3A_318 : memref<1x128xi32, #tpu.memory_space<vmem>>)
            "tpu.trace_stop"() : () -> ()
          } else {
          }
          %ne3A_220 = arith.cmpi ne, %add3A_155, %add3A_165 : i32
          %or3A_221 = arith.constant false
          %or3A_222 = arith.ori %or3A_221, %ne3A_220 : i1
          %or3A_223 = arith.constant false
          %or3A_224 = arith.ori %or3A_222, %or3A_223 : i1
          %or3A_225 = arith.ori %or3A_224, %eq3A_151 : i1
          %convert_element_type3A_226 = arith.extui %or3A_225 : i1 to i32
          %cond3A_227 = arith.constant 0 : i32
          %cond3A_228 = arith.cmpi ne, %convert_element_type3A_226, %cond3A_227 : i32
          scf.if %cond3A_228 {
          } else {
          }
          %rem3A_229 = arith.constant 2 : i32
          %rem3A_230 = arith.remui %while3A_144, %rem3A_229 : i32
          %rem3A_231 = arith.constant 2 : i32
          %rem3A_232 = arith.remui %while3A_145, %rem3A_231 : i32
          %run_scoped3A_233 = arith.constant 0 : i32
          "tpu.trace_start"() <{level = 10 : i32, message = "ep_run_kernel"}> : () -> ()
          "tpu.region"() ({
            %run_scoped3A_304 = tpu.sem_alloc : memref<!tpu.dma_semaphore, #tpu.memory_space<semaphore_mem>>
            %dma_start3A_305 = arith.constant 0 : i32
            %dma_start3A_306 = arith.constant 0 : i32
            %dma_start3A_307 = tpu.memref_slice %run_scoped3A_18[%rem3A_232, %dma_start3A_305, %dma_start3A_306] : memref<2x128x256xf32, #tpu.memory_space<vmem>> -> memref<1x128x256xf32, #tpu.memory_space<vmem>>
            %dma_start3A_308 = tpu.memref_squeeze %dma_start3A_307 : memref<1x128x256xf32, #tpu.memory_space<vmem>> -> memref<128x256xf32, #tpu.memory_space<vmem>>
            %dma_start3A_309 = arith.constant 0 : i32
            %dma_start3A_310 = arith.constant 0 : i32
            %dma_start3A_311 = tpu.memref_slice %run_scoped3A[%rem3A_230, %dma_start3A_309, %dma_start3A_310] : memref<2x1x128xi32, #tpu.memory_space<vmem>> -> memref<1x1x128xi32, #tpu.memory_space<vmem>>
            %dma_start3A_312 = tpu.memref_squeeze %dma_start3A_311 : memref<1x1x128xi32, #tpu.memory_space<vmem>> -> memref<1x128xi32, #tpu.memory_space<vmem>>
            %dma_start3A_313 = arith.constant 0 : i32
            %dma_start3A_314 = tpu.memref_slice %dma_start3A_312[%run_scoped3A_233, %dma_start3A_313] : memref<1x128xi32, #tpu.memory_space<vmem>> -> memref<1x128xi32, #tpu.memory_space<vmem>>
            %dma_start3A_315 = tpu.memref_squeeze %dma_start3A_314 : memref<1x128xi32, #tpu.memory_space<vmem>> -> memref<128xi32, #tpu.memory_space<vmem>>
            %dma_start3A_316 = arith.constant 0 : i32
            %dma_start3A_317 = arith.constant 0 : i32
            %dma_start3A_318 = tpu.memref_slice %arg2[%dma_start3A_316, %dma_start3A_317] : memref<16384x256xf32, #tpu.memory_space<hbm>> -> memref<16384x256xf32, #tpu.memory_space<hbm>>
            tpu.enqueue_indirect_dma source(%dma_start3A_318 : memref<16384x256xf32, #tpu.memory_space<hbm>>) target(%dma_start3A_308 : memref<128x256xf32, #tpu.memory_space<vmem>>) offsets(%dma_start3A_315 : memref<128xi32, #tpu.memory_space<vmem>>) semaphore(%run_scoped3A_304 : memref<!tpu.dma_semaphore, #tpu.memory_space<semaphore_mem>>)
            %dma_wait3A = arith.constant 0 : i32
            %dma_wait3A_319 = arith.constant 0 : i32
            %dma_wait3A_320 = tpu.memref_slice %run_scoped3A_18[%rem3A_232, %dma_wait3A, %dma_wait3A_319] : memref<2x128x256xf32, #tpu.memory_space<vmem>> -> memref<1x128x256xf32, #tpu.memory_space<vmem>>
            %dma_wait3A_321 = tpu.memref_squeeze %dma_wait3A_320 : memref<1x128x256xf32, #tpu.memory_space<vmem>> -> memref<128x256xf32, #tpu.memory_space<vmem>>
            %dma_wait3A_322 = arith.constant 0 : i32
            %dma_wait3A_323 = arith.constant 0 : i32
            %dma_wait3A_324 = tpu.memref_slice %run_scoped3A[%rem3A_230, %dma_wait3A_322, %dma_wait3A_323] : memref<2x1x128xi32, #tpu.memory_space<vmem>> -> memref<1x1x128xi32, #tpu.memory_space<vmem>>
            %dma_wait3A_325 = tpu.memref_squeeze %dma_wait3A_324 : memref<1x1x128xi32, #tpu.memory_space<vmem>> -> memref<1x128xi32, #tpu.memory_space<vmem>>
            %dma_wait3A_326 = arith.constant 0 : i32
            %dma_wait3A_327 = tpu.memref_slice %dma_wait3A_325[%run_scoped3A_233, %dma_wait3A_326] : memref<1x128xi32, #tpu.memory_space<vmem>> -> memref<1x128xi32, #tpu.memory_space<vmem>>
            %dma_wait3A_328 = tpu.memref_squeeze %dma_wait3A_327 : memref<1x128xi32, #tpu.memory_space<vmem>> -> memref<128xi32, #tpu.memory_space<vmem>>
            %dma_wait3A_329 = arith.constant 0 : i32
            %dma_wait3A_330 = arith.constant 0 : i32
            %dma_wait3A_331 = tpu.memref_slice %arg2[%dma_wait3A_329, %dma_wait3A_330] : memref<16384x256xf32, #tpu.memory_space<hbm>> -> memref<16384x256xf32, #tpu.memory_space<hbm>>
            tpu.wait_indirect_dma semaphore(%run_scoped3A_304 : memref<!tpu.dma_semaphore, #tpu.memory_space<semaphore_mem>>) src(%dma_wait3A_331 : memref<16384x256xf32, #tpu.memory_space<hbm>>) dst(%dma_wait3A_321 : memref<128x256xf32, #tpu.memory_space<vmem>>)
            tpu.yield
          }) : () -> ()
          "tpu.trace_stop"() : () -> ()
          %ne3A_234 = arith.cmpi ne, %add3A_155, %add3A_173 : i32
          %or3A_235 = arith.constant false
          %or3A_236 = arith.ori %or3A_235, %ne3A_234 : i1
          %or3A_237 = arith.constant false
          %or3A_238 = arith.ori %or3A_236, %or3A_237 : i1
          %or3A_239 = arith.ori %or3A_238, %eq3A_154 : i1
          %convert_element_type3A_240 = arith.extui %or3A_239 : i1 to i32
          %cond3A_241 = arith.constant 0 : i32
          %cond3A_242 = arith.cmpi ne, %convert_element_type3A_240, %cond3A_241 : i32
          scf.if %cond3A_242 {
          } else {
          }
          %and3A_243 = arith.constant false
          %and3A_244 = arith.andi %or3A_239, %and3A_243 : i1
          %ne3A_245 = arith.cmpi ne, %add3A_155, %add3A_173 : i32
          %or3A_246 = arith.constant false
          %or3A_247 = arith.ori %or3A_246, %ne3A_245 : i1
          %or3A_248 = arith.constant false
          %or3A_249 = arith.ori %or3A_247, %or3A_248 : i1
          %or3A_250 = arith.ori %or3A_249, %eq3A_154 : i1
          %convert_element_type3A_251 = arith.extui %or3A_250 : i1 to i32
          %cond3A_252 = arith.constant 0 : i32
          %cond3A_253 = arith.cmpi ne, %convert_element_type3A_251, %cond3A_252 : i32
          scf.if %cond3A_253 {
            "tpu.trace_start"() <{level = 10 : i32, message = "ep_copy_out"}> : () -> ()
            %rem3A_304 = arith.constant 2 : i32
            %rem3A_305 = arith.remui %while3A_145, %rem3A_304 : i32
            %mul3A_306 = arith.constant 128 : i32
            %mul3A_307 = arith.muli %mul3A_306, %add3A_155 : i32
            %dma_start3A_308 = arith.constant 0 : i32
            %dma_start3A_309 = arith.constant 0 : i32
            %dma_start3A_310 = tpu.memref_slice %run_scoped3A_18[%rem3A_305, %dma_start3A_308, %dma_start3A_309] : memref<2x128x256xf32, #tpu.memory_space<vmem>> -> memref<1x128x256xf32, #tpu.memory_space<vmem>>
            %dma_start3A_311 = tpu.memref_squeeze %dma_start3A_310 : memref<1x128x256xf32, #tpu.memory_space<vmem>> -> memref<128x256xf32, #tpu.memory_space<vmem>>
            %dma_start3A_312 = arith.constant 0 : i32
            %dma_start3A_313 = tpu.memref_slice %arg4[%mul3A_307, %dma_start3A_312] : memref<2048x256xf32, #tpu.memory_space<hbm>> -> memref<128x256xf32, #tpu.memory_space<hbm>>
            %dma_start3A_314 = tpu.memref_slice %run_scoped3A_19[%rem3A_305] : memref<2x!tpu.dma_semaphore, #tpu.memory_space<semaphore_mem>> -> memref<1x!tpu.dma_semaphore, #tpu.memory_space<semaphore_mem>>
            %dma_start3A_315 = tpu.memref_squeeze %dma_start3A_314 : memref<1x!tpu.dma_semaphore, #tpu.memory_space<semaphore_mem>> -> memref<!tpu.dma_semaphore, #tpu.memory_space<semaphore_mem>>
            %dma_start3A_316 = arith.constant 0 : i32
            %dma_start3A_317 = tpu.memref_slice %arg4[%mul3A_307, %dma_start3A_316] : memref<2048x256xf32, #tpu.memory_space<hbm>> -> memref<128x256xf32, #tpu.memory_space<hbm>>
            %dma_start3A_318 = arith.constant 0 : i32
            %dma_start3A_319 = arith.constant 0 : i32
            %dma_start3A_320 = tpu.memref_slice %run_scoped3A_18[%rem3A_305, %dma_start3A_318, %dma_start3A_319] : memref<2x128x256xf32, #tpu.memory_space<vmem>> -> memref<1x128x256xf32, #tpu.memory_space<vmem>>
            %dma_start3A_321 = tpu.memref_squeeze %dma_start3A_320 : memref<1x128x256xf32, #tpu.memory_space<vmem>> -> memref<128x256xf32, #tpu.memory_space<vmem>>
            tpu.enqueue_dma source(%dma_start3A_321 : memref<128x256xf32, #tpu.memory_space<vmem>>) target(%dma_start3A_317 : memref<128x256xf32, #tpu.memory_space<hbm>>) target_semaphore(%dma_start3A_315 : memref<!tpu.dma_semaphore, #tpu.memory_space<semaphore_mem>>)
            "tpu.trace_stop"() : () -> ()
          } else {
          }
          %and3A_254 = arith.constant true
          %and3A_255 = arith.andi %or3A_250, %and3A_254 : i1
          %add3A_256 = arith.constant 1 : i32
          %add3A_257 = arith.addi %while3A_145, %add3A_256 : i32
          %select_n3A_258 = arith.select %and3A_255, %add3A_257, %while3A_145 : i32
          %ne3A_259 = arith.cmpi ne, %add3A_155, %add3A_165 : i32
          %or3A_260 = arith.constant false
          %or3A_261 = arith.ori %or3A_260, %ne3A_259 : i1
          %or3A_262 = arith.constant false
          %or3A_263 = arith.ori %or3A_261, %or3A_262 : i1
          %not3A_264 = arith.constant true
          %not3A_265 = arith.xori %eq3A_151, %not3A_264 : i1
          %and3A_266 = arith.andi %or3A_263, %not3A_265 : i1
          %convert_element_type3A_267 = arith.extui %and3A_266 : i1 to i32
          %cond3A_268 = arith.constant 0 : i32
          %cond3A_269 = arith.cmpi ne, %convert_element_type3A_267, %cond3A_268 : i32
          scf.if %cond3A_269 {
          } else {
          }
          %and3A_270 = arith.constant false
          %and3A_271 = arith.andi %and3A_266, %and3A_270 : i1
          %ne3A_272 = arith.cmpi ne, %add3A_155, %add3A_165 : i32
          %or3A_273 = arith.constant false
          %or3A_274 = arith.ori %or3A_273, %ne3A_272 : i1
          %or3A_275 = arith.constant false
          %or3A_276 = arith.ori %or3A_274, %or3A_275 : i1
          %not3A_277 = arith.constant true
          %not3A_278 = arith.xori %eq3A_151, %not3A_277 : i1
          %and3A_279 = arith.andi %or3A_276, %not3A_278 : i1
          %convert_element_type3A_280 = arith.extui %and3A_279 : i1 to i32
          %cond3A_281 = arith.constant 0 : i32
          %cond3A_282 = arith.cmpi ne, %convert_element_type3A_280, %cond3A_281 : i32
          scf.if %cond3A_282 {
            "tpu.trace_start"() <{level = 10 : i32, message = "ep_wait_out"}> : () -> ()
            %rem3A_304 = arith.constant 2 : i32
            %rem3A_305 = arith.remui %while3A_146, %rem3A_304 : i32
            %mul3A_306 = arith.constant 128 : i32
            %mul3A_307 = arith.muli %mul3A_306, %add3A_165 : i32
            %dma_wait3A = arith.constant 0 : i32
            %dma_wait3A_308 = arith.constant 0 : i32
            %dma_wait3A_309 = tpu.memref_slice %run_scoped3A_18[%rem3A_305, %dma_wait3A, %dma_wait3A_308] : memref<2x128x256xf32, #tpu.memory_space<vmem>> -> memref<1x128x256xf32, #tpu.memory_space<vmem>>
            %dma_wait3A_310 = tpu.memref_squeeze %dma_wait3A_309 : memref<1x128x256xf32, #tpu.memory_space<vmem>> -> memref<128x256xf32, #tpu.memory_space<vmem>>
            %dma_wait3A_311 = arith.constant 0 : i32
            %dma_wait3A_312 = tpu.memref_slice %arg4[%mul3A_307, %dma_wait3A_311] : memref<2048x256xf32, #tpu.memory_space<hbm>> -> memref<128x256xf32, #tpu.memory_space<hbm>>
            %dma_wait3A_313 = tpu.memref_slice %run_scoped3A_19[%rem3A_305] : memref<2x!tpu.dma_semaphore, #tpu.memory_space<semaphore_mem>> -> memref<1x!tpu.dma_semaphore, #tpu.memory_space<semaphore_mem>>
            %dma_wait3A_314 = tpu.memref_squeeze %dma_wait3A_313 : memref<1x!tpu.dma_semaphore, #tpu.memory_space<semaphore_mem>> -> memref<!tpu.dma_semaphore, #tpu.memory_space<semaphore_mem>>
            %dma_wait3A_315 = arith.constant 0 : i32
            %dma_wait3A_316 = tpu.memref_slice %arg4[%mul3A_307, %dma_wait3A_315] : memref<2048x256xf32, #tpu.memory_space<hbm>> -> memref<128x256xf32, #tpu.memory_space<hbm>>
            %dma_wait3A_317 = arith.constant 0 : i32
            %dma_wait3A_318 = arith.constant 0 : i32
            %dma_wait3A_319 = tpu.memref_slice %run_scoped3A_18[%rem3A_305, %dma_wait3A_317, %dma_wait3A_318] : memref<2x128x256xf32, #tpu.memory_space<vmem>> -> memref<1x128x256xf32, #tpu.memory_space<vmem>>
            %dma_wait3A_320 = tpu.memref_squeeze %dma_wait3A_319 : memref<1x128x256xf32, #tpu.memory_space<vmem>> -> memref<128x256xf32, #tpu.memory_space<vmem>>
            tpu.wait_dma2 semaphore(%dma_wait3A_314 : memref<!tpu.dma_semaphore, #tpu.memory_space<semaphore_mem>>) src(%dma_wait3A_320 : memref<128x256xf32, #tpu.memory_space<vmem>>) dst(%dma_wait3A_316 : memref<128x256xf32, #tpu.memory_space<hbm>>)
            "tpu.trace_stop"() : () -> ()
          } else {
          }
          %and3A_283 = arith.constant true
          %and3A_284 = arith.andi %and3A_279, %and3A_283 : i1
          %add3A_285 = arith.constant 1 : i32
          %add3A_286 = arith.addi %while3A_146, %add3A_285 : i32
          %select_n3A_287 = arith.select %and3A_284, %add3A_286, %while3A_146 : i32
          %ne3A_288 = arith.cmpi ne, %add3A_155, %add3A_173 : i32
          %or3A_289 = arith.constant false
          %or3A_290 = arith.ori %or3A_289, %ne3A_288 : i1
          %or3A_291 = arith.constant false
          %or3A_292 = arith.ori %or3A_290, %or3A_291 : i1
          %or3A_293 = arith.ori %or3A_292, %eq3A_154 : i1
          %add3A_294 = arith.constant 1 : i32
          %add3A_295 = arith.addi %while3A_144, %add3A_294 : i32
          %select_n3A_296 = arith.select %or3A_293, %add3A_295, %while3A_144 : i32
          %add3A_297 = arith.constant 1 : i32
          %add3A_298 = arith.addi %while3A_147, %add3A_297 : i32
          %select_n3A_299 = arith.constant true
          %select_n3A_300 = arith.select %select_n3A_299, %add3A_298, %while3A_147 : i32
          %eq3A_301 = arith.cmpi eq, %select_n3A_300, %select_n3A : i32
          %select_n3A_302 = arith.constant 0 : i32
          %select_n3A_303 = arith.select %eq3A_301, %select_n3A_302, %select_n3A_300 : i32
          scf.yield %select_n3A_197, %select_n3A_296, %select_n3A_258, %select_n3A_287, %select_n3A_303 : i32, i32, i32, i32, i32
        }
        %while3A_89 = arith.constant 1 : i32
        %while3A_90:5 = scf.for %while3A_142 = %while3A_86 to %while3A_82 step %while3A_89 iter_args(%while3A_143 = %while3A_88#0, %while3A_144 = %while3A_88#1, %while3A_145 = %while3A_88#2, %while3A_146 = %while3A_88#3, %while3A_147 = %while3A_88#4) -> (i32, i32, i32, i32, i32)  : i32 {
          %mul3A_148 = arith.constant 1 : i32
          %mul3A_149 = arith.muli %mul3A_148, %select_n3A : i32
          %eq3A_150 = arith.constant 0 : i32
          %eq3A_151 = arith.cmpi eq, %while3A_142, %eq3A_150 : i32
          %sub3A_152 = arith.constant 1 : i32
          %sub3A_153 = arith.subi %mul3A_149, %sub3A_152 : i32
          %eq3A_154 = arith.cmpi eq, %while3A_142, %sub3A_153 : i32
          %add3A_155 = arith.addi %while3A_147, %select_n3A_14 : i32
          %sub3A_156 = arith.constant 1 : i32
          %sub3A_157 = arith.subi %while3A_147, %sub3A_156 : i32
          %select_n3A_158 = arith.constant true
          %select_n3A_159 = arith.select %select_n3A_158, %sub3A_157, %while3A_147 : i32
          %eq3A_160 = arith.constant -1 : i32
          %eq3A_161 = arith.cmpi eq, %select_n3A_159, %eq3A_160 : i32
          %sub3A_162 = arith.constant 1 : i32
          %sub3A_163 = arith.subi %select_n3A, %sub3A_162 : i32
          %select_n3A_164 = arith.select %eq3A_161, %sub3A_163, %select_n3A_159 : i32
          %add3A_165 = arith.addi %select_n3A_164, %select_n3A_14 : i32
          %add3A_166 = arith.constant 1 : i32
          %add3A_167 = arith.addi %while3A_147, %add3A_166 : i32
          %select_n3A_168 = arith.constant true
          %select_n3A_169 = arith.select %select_n3A_168, %add3A_167, %while3A_147 : i32
          %eq3A_170 = arith.cmpi eq, %select_n3A_169, %select_n3A : i32
          %select_n3A_171 = arith.constant 0 : i32
          %select_n3A_172 = arith.select %eq3A_170, %select_n3A_171, %select_n3A_169 : i32
          %add3A_173 = arith.addi %select_n3A_172, %select_n3A_14 : i32
          %add3A_174 = arith.constant 1 : i32
          %add3A_175 = arith.addi %select_n3A_172, %add3A_174 : i32
          %select_n3A_176 = arith.constant true
          %select_n3A_177 = arith.select %select_n3A_176, %add3A_175, %select_n3A_172 : i32
          %eq3A_178 = arith.cmpi eq, %select_n3A_177, %select_n3A : i32
          %select_n3A_179 = arith.constant 0 : i32
          %select_n3A_180 = arith.select %eq3A_178, %select_n3A_179, %select_n3A_177 : i32
          %add3A_181 = arith.addi %select_n3A_180, %select_n3A_14 : i32
          %ne3A = arith.cmpi ne, %add3A_155, %add3A_173 : i32
          %or3A = arith.constant false
          %or3A_182 = arith.ori %or3A, %ne3A : i1
          %or3A_183 = arith.constant false
          %or3A_184 = arith.ori %or3A_182, %or3A_183 : i1
          %sub3A_185 = arith.constant 2 : i32
          %sub3A_186 = arith.subi %mul3A_149, %sub3A_185 : i32
          %add3A_187 = arith.constant 1 : i32
          %add3A_188 = arith.addi %sub3A_186, %add3A_187 : i32
          %ge3A = arith.cmpi sge, %while3A_142, %add3A_188 : i32
          %not3A = arith.constant true
          %not3A_189 = arith.xori %ge3A, %not3A : i1
          %and3A = arith.andi %or3A_184, %not3A_189 : i1
          %convert_element_type3A_190 = arith.extui %and3A : i1 to i32
          %cond3A_191 = arith.constant 0 : i32
          %cond3A_192 = arith.cmpi ne, %convert_element_type3A_190, %cond3A_191 : i32
          scf.if %cond3A_192 {
            "tpu.trace_start"() <{level = 10 : i32, message = "ep_copy_in"}> : () -> ()
            %rem3A_304 = arith.constant 2 : i32
            %rem3A_305 = arith.remui %while3A_143, %rem3A_304 : i32
            %mul3A_306 = arith.constant 1 : i32
            %mul3A_307 = arith.muli %mul3A_306, %add3A_173 : i32
            %dma_start3A_308 = arith.constant 0 : i32
            %dma_start3A_309 = arith.constant 0 : i32
            %dma_start3A_310 = tpu.memref_slice %run_scoped3A[%rem3A_305, %dma_start3A_308, %dma_start3A_309] : memref<2x1x128xi32, #tpu.memory_space<vmem>> -> memref<1x1x128xi32, #tpu.memory_space<vmem>>
            %dma_start3A_311 = tpu.memref_squeeze %dma_start3A_310 : memref<1x1x128xi32, #tpu.memory_space<vmem>> -> memref<1x128xi32, #tpu.memory_space<vmem>>
            %dma_start3A_312 = arith.constant 0 : i32
            %dma_start3A_313 = tpu.memref_slice %arg3[%mul3A_307, %dma_start3A_312] : memref<16x128xi32, #tpu.memory_space<hbm>> -> memref<1x128xi32, #tpu.memory_space<hbm>>
            %dma_start3A_314 = tpu.memref_slice %run_scoped3A_17[%rem3A_305] : memref<2x!tpu.dma_semaphore, #tpu.memory_space<semaphore_mem>> -> memref<1x!tpu.dma_semaphore, #tpu.memory_space<semaphore_mem>>
            %dma_start3A_315 = tpu.memref_squeeze %dma_start3A_314 : memref<1x!tpu.dma_semaphore, #tpu.memory_space<semaphore_mem>> -> memref<!tpu.dma_semaphore, #tpu.memory_space<semaphore_mem>>
            %dma_start3A_316 = arith.constant 0 : i32
            %dma_start3A_317 = arith.constant 0 : i32
            %dma_start3A_318 = tpu.memref_slice %run_scoped3A[%rem3A_305, %dma_start3A_316, %dma_start3A_317] : memref<2x1x128xi32, #tpu.memory_space<vmem>> -> memref<1x1x128xi32, #tpu.memory_space<vmem>>
            %dma_start3A_319 = tpu.memref_squeeze %dma_start3A_318 : memref<1x1x128xi32, #tpu.memory_space<vmem>> -> memref<1x128xi32, #tpu.memory_space<vmem>>
            %dma_start3A_320 = arith.constant 0 : i32
            %dma_start3A_321 = tpu.memref_slice %arg3[%mul3A_307, %dma_start3A_320] : memref<16x128xi32, #tpu.memory_space<hbm>> -> memref<1x128xi32, #tpu.memory_space<hbm>>
            tpu.enqueue_dma source(%dma_start3A_321 : memref<1x128xi32, #tpu.memory_space<hbm>>) target(%dma_start3A_319 : memref<1x128xi32, #tpu.memory_space<vmem>>) target_semaphore(%dma_start3A_315 : memref<!tpu.dma_semaphore, #tpu.memory_space<semaphore_mem>>)
            "tpu.trace_stop"() : () -> ()
          } else {
          }
          %and3A_193 = arith.constant true
          %and3A_194 = arith.andi %and3A, %and3A_193 : i1
          %add3A_195 = arith.constant 1 : i32
          %add3A_196 = arith.addi %while3A_143, %add3A_195 : i32
          %select_n3A_197 = arith.select %and3A_194, %add3A_196, %while3A_143 : i32
          %ne3A_198 = arith.cmpi ne, %add3A_155, %add3A_173 : i32
          %or3A_199 = arith.constant false
          %or3A_200 = arith.ori %or3A_199, %ne3A_198 : i1
          %or3A_201 = arith.constant false
          %or3A_202 = arith.ori %or3A_200, %or3A_201 : i1
          %sub3A_203 = arith.constant 2 : i32
          %sub3A_204 = arith.subi %mul3A_149, %sub3A_203 : i32
          %add3A_205 = arith.constant 1 : i32
          %add3A_206 = arith.addi %sub3A_204, %add3A_205 : i32
          %ge3A_207 = arith.cmpi sge, %while3A_142, %add3A_206 : i32
          %not3A_208 = arith.constant true
          %not3A_209 = arith.xori %ge3A_207, %not3A_208 : i1
          %and3A_210 = arith.andi %or3A_202, %not3A_209 : i1
          %ne3A_211 = arith.cmpi ne, %add3A_155, %add3A_165 : i32
          %or3A_212 = arith.constant false
          %or3A_213 = arith.ori %or3A_212, %ne3A_211 : i1
          %or3A_214 = arith.constant false
          %or3A_215 = arith.ori %or3A_213, %or3A_214 : i1
          %or3A_216 = arith.ori %or3A_215, %eq3A_151 : i1
          %convert_element_type3A_217 = arith.extui %or3A_216 : i1 to i32
          %cond3A_218 = arith.constant 0 : i32
          %cond3A_219 = arith.cmpi ne, %convert_element_type3A_217, %cond3A_218 : i32
          scf.if %cond3A_219 {
            "tpu.trace_start"() <{level = 10 : i32, message = "ep_wait_in"}> : () -> ()
            %mul3A_304 = arith.constant 1 : i32
            %mul3A_305 = arith.muli %mul3A_304, %add3A_155 : i32
            %rem3A_306 = arith.constant 2 : i32
            %rem3A_307 = arith.remui %while3A_144, %rem3A_306 : i32
            %dma_wait3A = arith.constant 0 : i32
            %dma_wait3A_308 = arith.constant 0 : i32
            %dma_wait3A_309 = tpu.memref_slice %run_scoped3A[%rem3A_307, %dma_wait3A, %dma_wait3A_308] : memref<2x1x128xi32, #tpu.memory_space<vmem>> -> memref<1x1x128xi32, #tpu.memory_space<vmem>>
            %dma_wait3A_310 = tpu.memref_squeeze %dma_wait3A_309 : memref<1x1x128xi32, #tpu.memory_space<vmem>> -> memref<1x128xi32, #tpu.memory_space<vmem>>
            %dma_wait3A_311 = arith.constant 0 : i32
            %dma_wait3A_312 = tpu.memref_slice %arg3[%mul3A_305, %dma_wait3A_311] : memref<16x128xi32, #tpu.memory_space<hbm>> -> memref<1x128xi32, #tpu.memory_space<hbm>>
            %dma_wait3A_313 = tpu.memref_slice %run_scoped3A_17[%rem3A_307] : memref<2x!tpu.dma_semaphore, #tpu.memory_space<semaphore_mem>> -> memref<1x!tpu.dma_semaphore, #tpu.memory_space<semaphore_mem>>
            %dma_wait3A_314 = tpu.memref_squeeze %dma_wait3A_313 : memref<1x!tpu.dma_semaphore, #tpu.memory_space<semaphore_mem>> -> memref<!tpu.dma_semaphore, #tpu.memory_space<semaphore_mem>>
            %dma_wait3A_315 = arith.constant 0 : i32
            %dma_wait3A_316 = arith.constant 0 : i32
            %dma_wait3A_317 = tpu.memref_slice %run_scoped3A[%rem3A_307, %dma_wait3A_315, %dma_wait3A_316] : memref<2x1x128xi32, #tpu.memory_space<vmem>> -> memref<1x1x128xi32, #tpu.memory_space<vmem>>
            %dma_wait3A_318 = tpu.memref_squeeze %dma_wait3A_317 : memref<1x1x128xi32, #tpu.memory_space<vmem>> -> memref<1x128xi32, #tpu.memory_space<vmem>>
            %dma_wait3A_319 = arith.constant 0 : i32
            %dma_wait3A_320 = tpu.memref_slice %arg3[%mul3A_305, %dma_wait3A_319] : memref<16x128xi32, #tpu.memory_space<hbm>> -> memref<1x128xi32, #tpu.memory_space<hbm>>
            tpu.wait_dma2 semaphore(%dma_wait3A_314 : memref<!tpu.dma_semaphore, #tpu.memory_space<semaphore_mem>>) src(%dma_wait3A_320 : memref<1x128xi32, #tpu.memory_space<hbm>>) dst(%dma_wait3A_318 : memref<1x128xi32, #tpu.memory_space<vmem>>)
            "tpu.trace_stop"() : () -> ()
          } else {
          }
          %ne3A_220 = arith.cmpi ne, %add3A_155, %add3A_165 : i32
          %or3A_221 = arith.constant false
          %or3A_222 = arith.ori %or3A_221, %ne3A_220 : i1
          %or3A_223 = arith.constant false
          %or3A_224 = arith.ori %or3A_222, %or3A_223 : i1
          %or3A_225 = arith.ori %or3A_224, %eq3A_151 : i1
          %convert_element_type3A_226 = arith.extui %or3A_225 : i1 to i32
          %cond3A_227 = arith.constant 0 : i32
          %cond3A_228 = arith.cmpi ne, %convert_element_type3A_226, %cond3A_227 : i32
          scf.if %cond3A_228 {
          } else {
          }
          %rem3A_229 = arith.constant 2 : i32
          %rem3A_230 = arith.remui %while3A_144, %rem3A_229 : i32
          %rem3A_231 = arith.constant 2 : i32
          %rem3A_232 = arith.remui %while3A_145, %rem3A_231 : i32
          %run_scoped3A_233 = arith.constant 0 : i32
          "tpu.trace_start"() <{level = 10 : i32, message = "ep_run_kernel"}> : () -> ()
          "tpu.region"() ({
            %run_scoped3A_304 = tpu.sem_alloc : memref<!tpu.dma_semaphore, #tpu.memory_space<semaphore_mem>>
            %dma_start3A_305 = arith.constant 0 : i32
            %dma_start3A_306 = arith.constant 0 : i32
            %dma_start3A_307 = tpu.memref_slice %run_scoped3A_18[%rem3A_232, %dma_start3A_305, %dma_start3A_306] : memref<2x128x256xf32, #tpu.memory_space<vmem>> -> memref<1x128x256xf32, #tpu.memory_space<vmem>>
            %dma_start3A_308 = tpu.memref_squeeze %dma_start3A_307 : memref<1x128x256xf32, #tpu.memory_space<vmem>> -> memref<128x256xf32, #tpu.memory_space<vmem>>
            %dma_start3A_309 = arith.constant 0 : i32
            %dma_start3A_310 = arith.constant 0 : i32
            %dma_start3A_311 = tpu.memref_slice %run_scoped3A[%rem3A_230, %dma_start3A_309, %dma_start3A_310] : memref<2x1x128xi32, #tpu.memory_space<vmem>> -> memref<1x1x128xi32, #tpu.memory_space<vmem>>
            %dma_start3A_312 = tpu.memref_squeeze %dma_start3A_311 : memref<1x1x128xi32, #tpu.memory_space<vmem>> -> memref<1x128xi32, #tpu.memory_space<vmem>>
            %dma_start3A_313 = arith.constant 0 : i32
            %dma_start3A_314 = tpu.memref_slice %dma_start3A_312[%run_scoped3A_233, %dma_start3A_313] : memref<1x128xi32, #tpu.memory_space<vmem>> -> memref<1x128xi32, #tpu.memory_space<vmem>>
            %dma_start3A_315 = tpu.memref_squeeze %dma_start3A_314 : memref<1x128xi32, #tpu.memory_space<vmem>> -> memref<128xi32, #tpu.memory_space<vmem>>
            %dma_start3A_316 = arith.constant 0 : i32
            %dma_start3A_317 = arith.constant 0 : i32
            %dma_start3A_318 = tpu.memref_slice %arg2[%dma_start3A_316, %dma_start3A_317] : memref<16384x256xf32, #tpu.memory_space<hbm>> -> memref<16384x256xf32, #tpu.memory_space<hbm>>
            tpu.enqueue_indirect_dma source(%dma_start3A_318 : memref<16384x256xf32, #tpu.memory_space<hbm>>) target(%dma_start3A_308 : memref<128x256xf32, #tpu.memory_space<vmem>>) offsets(%dma_start3A_315 : memref<128xi32, #tpu.memory_space<vmem>>) semaphore(%run_scoped3A_304 : memref<!tpu.dma_semaphore, #tpu.memory_space<semaphore_mem>>)
            %dma_wait3A = arith.constant 0 : i32
            %dma_wait3A_319 = arith.constant 0 : i32
            %dma_wait3A_320 = tpu.memref_slice %run_scoped3A_18[%rem3A_232, %dma_wait3A, %dma_wait3A_319] : memref<2x128x256xf32, #tpu.memory_space<vmem>> -> memref<1x128x256xf32, #tpu.memory_space<vmem>>
            %dma_wait3A_321 = tpu.memref_squeeze %dma_wait3A_320 : memref<1x128x256xf32, #tpu.memory_space<vmem>> -> memref<128x256xf32, #tpu.memory_space<vmem>>
            %dma_wait3A_322 = arith.constant 0 : i32
            %dma_wait3A_323 = arith.constant 0 : i32
            %dma_wait3A_324 = tpu.memref_slice %run_scoped3A[%rem3A_230, %dma_wait3A_322, %dma_wait3A_323] : memref<2x1x128xi32, #tpu.memory_space<vmem>> -> memref<1x1x128xi32, #tpu.memory_space<vmem>>
            %dma_wait3A_325 = tpu.memref_squeeze %dma_wait3A_324 : memref<1x1x128xi32, #tpu.memory_space<vmem>> -> memref<1x128xi32, #tpu.memory_space<vmem>>
            %dma_wait3A_326 = arith.constant 0 : i32
            %dma_wait3A_327 = tpu.memref_slice %dma_wait3A_325[%run_scoped3A_233, %dma_wait3A_326] : memref<1x128xi32, #tpu.memory_space<vmem>> -> memref<1x128xi32, #tpu.memory_space<vmem>>
            %dma_wait3A_328 = tpu.memref_squeeze %dma_wait3A_327 : memref<1x128xi32, #tpu.memory_space<vmem>> -> memref<128xi32, #tpu.memory_space<vmem>>
            %dma_wait3A_329 = arith.constant 0 : i32
            %dma_wait3A_330 = arith.constant 0 : i32
            %dma_wait3A_331 = tpu.memref_slice %arg2[%dma_wait3A_329, %dma_wait3A_330] : memref<16384x256xf32, #tpu.memory_space<hbm>> -> memref<16384x256xf32, #tpu.memory_space<hbm>>
            tpu.wait_indirect_dma semaphore(%run_scoped3A_304 : memref<!tpu.dma_semaphore, #tpu.memory_space<semaphore_mem>>) src(%dma_wait3A_331 : memref<16384x256xf32, #tpu.memory_space<hbm>>) dst(%dma_wait3A_321 : memref<128x256xf32, #tpu.memory_space<vmem>>)
            tpu.yield
          }) : () -> ()
          "tpu.trace_stop"() : () -> ()
          %ne3A_234 = arith.cmpi ne, %add3A_155, %add3A_173 : i32
          %or3A_235 = arith.constant false
          %or3A_236 = arith.ori %or3A_235, %ne3A_234 : i1
          %or3A_237 = arith.constant false
          %or3A_238 = arith.ori %or3A_236, %or3A_237 : i1
          %or3A_239 = arith.ori %or3A_238, %eq3A_154 : i1
          %convert_element_type3A_240 = arith.extui %or3A_239 : i1 to i32
          %cond3A_241 = arith.constant 0 : i32
          %cond3A_242 = arith.cmpi ne, %convert_element_type3A_240, %cond3A_241 : i32
          scf.if %cond3A_242 {
          } else {
          }
          %and3A_243 = arith.constant false
          %and3A_244 = arith.andi %or3A_239, %and3A_243 : i1
          %ne3A_245 = arith.cmpi ne, %add3A_155, %add3A_173 : i32
          %or3A_246 = arith.constant false
          %or3A_247 = arith.ori %or3A_246, %ne3A_245 : i1
          %or3A_248 = arith.constant false
          %or3A_249 = arith.ori %or3A_247, %or3A_248 : i1
          %or3A_250 = arith.ori %or3A_249, %eq3A_154 : i1
          %convert_element_type3A_251 = arith.extui %or3A_250 : i1 to i32
          %cond3A_252 = arith.constant 0 : i32
          %cond3A_253 = arith.cmpi ne, %convert_element_type3A_251, %cond3A_252 : i32
          scf.if %cond3A_253 {
            "tpu.trace_start"() <{level = 10 : i32, message = "ep_copy_out"}> : () -> ()
            %rem3A_304 = arith.constant 2 : i32
            %rem3A_305 = arith.remui %while3A_145, %rem3A_304 : i32
            %mul3A_306 = arith.constant 128 : i32
            %mul3A_307 = arith.muli %mul3A_306, %add3A_155 : i32
            %dma_start3A_308 = arith.constant 0 : i32
            %dma_start3A_309 = arith.constant 0 : i32
            %dma_start3A_310 = tpu.memref_slice %run_scoped3A_18[%rem3A_305, %dma_start3A_308, %dma_start3A_309] : memref<2x128x256xf32, #tpu.memory_space<vmem>> -> memref<1x128x256xf32, #tpu.memory_space<vmem>>
            %dma_start3A_311 = tpu.memref_squeeze %dma_start3A_310 : memref<1x128x256xf32, #tpu.memory_space<vmem>> -> memref<128x256xf32, #tpu.memory_space<vmem>>
            %dma_start3A_312 = arith.constant 0 : i32
            %dma_start3A_313 = tpu.memref_slice %arg4[%mul3A_307, %dma_start3A_312] : memref<2048x256xf32, #tpu.memory_space<hbm>> -> memref<128x256xf32, #tpu.memory_space<hbm>>
            %dma_start3A_314 = tpu.memref_slice %run_scoped3A_19[%rem3A_305] : memref<2x!tpu.dma_semaphore, #tpu.memory_space<semaphore_mem>> -> memref<1x!tpu.dma_semaphore, #tpu.memory_space<semaphore_mem>>
            %dma_start3A_315 = tpu.memref_squeeze %dma_start3A_314 : memref<1x!tpu.dma_semaphore, #tpu.memory_space<semaphore_mem>> -> memref<!tpu.dma_semaphore, #tpu.memory_space<semaphore_mem>>
            %dma_start3A_316 = arith.constant 0 : i32
            %dma_start3A_317 = tpu.memref_slice %arg4[%mul3A_307, %dma_start3A_316] : memref<2048x256xf32, #tpu.memory_space<hbm>> -> memref<128x256xf32, #tpu.memory_space<hbm>>
            %dma_start3A_318 = arith.constant 0 : i32
            %dma_start3A_319 = arith.constant 0 : i32
            %dma_start3A_320 = tpu.memref_slice %run_scoped3A_18[%rem3A_305, %dma_start3A_318, %dma_start3A_319] : memref<2x128x256xf32, #tpu.memory_space<vmem>> -> memref<1x128x256xf32, #tpu.memory_space<vmem>>
            %dma_start3A_321 = tpu.memref_squeeze %dma_start3A_320 : memref<1x128x256xf32, #tpu.memory_space<vmem>> -> memref<128x256xf32, #tpu.memory_space<vmem>>
            tpu.enqueue_dma source(%dma_start3A_321 : memref<128x256xf32, #tpu.memory_space<vmem>>) target(%dma_start3A_317 : memref<128x256xf32, #tpu.memory_space<hbm>>) target_semaphore(%dma_start3A_315 : memref<!tpu.dma_semaphore, #tpu.memory_space<semaphore_mem>>)
            "tpu.trace_stop"() : () -> ()
          } else {
          }
          %and3A_254 = arith.constant true
          %and3A_255 = arith.andi %or3A_250, %and3A_254 : i1
          %add3A_256 = arith.constant 1 : i32
          %add3A_257 = arith.addi %while3A_145, %add3A_256 : i32
          %select_n3A_258 = arith.select %and3A_255, %add3A_257, %while3A_145 : i32
          %ne3A_259 = arith.cmpi ne, %add3A_155, %add3A_165 : i32
          %or3A_260 = arith.constant false
          %or3A_261 = arith.ori %or3A_260, %ne3A_259 : i1
          %or3A_262 = arith.constant false
          %or3A_263 = arith.ori %or3A_261, %or3A_262 : i1
          %not3A_264 = arith.constant true
          %not3A_265 = arith.xori %eq3A_151, %not3A_264 : i1
          %and3A_266 = arith.andi %or3A_263, %not3A_265 : i1
          %convert_element_type3A_267 = arith.extui %and3A_266 : i1 to i32
          %cond3A_268 = arith.constant 0 : i32
          %cond3A_269 = arith.cmpi ne, %convert_element_type3A_267, %cond3A_268 : i32
          scf.if %cond3A_269 {
          } else {
          }
          %and3A_270 = arith.constant false
          %and3A_271 = arith.andi %and3A_266, %and3A_270 : i1
          %ne3A_272 = arith.cmpi ne, %add3A_155, %add3A_165 : i32
          %or3A_273 = arith.constant false
          %or3A_274 = arith.ori %or3A_273, %ne3A_272 : i1
          %or3A_275 = arith.constant false
          %or3A_276 = arith.ori %or3A_274, %or3A_275 : i1
          %not3A_277 = arith.constant true
          %not3A_278 = arith.xori %eq3A_151, %not3A_277 : i1
          %and3A_279 = arith.andi %or3A_276, %not3A_278 : i1
          %convert_element_type3A_280 = arith.extui %and3A_279 : i1 to i32
          %cond3A_281 = arith.constant 0 : i32
          %cond3A_282 = arith.cmpi ne, %convert_element_type3A_280, %cond3A_281 : i32
          scf.if %cond3A_282 {
            "tpu.trace_start"() <{level = 10 : i32, message = "ep_wait_out"}> : () -> ()
            %rem3A_304 = arith.constant 2 : i32
            %rem3A_305 = arith.remui %while3A_146, %rem3A_304 : i32
            %mul3A_306 = arith.constant 128 : i32
            %mul3A_307 = arith.muli %mul3A_306, %add3A_165 : i32
            %dma_wait3A = arith.constant 0 : i32
            %dma_wait3A_308 = arith.constant 0 : i32
            %dma_wait3A_309 = tpu.memref_slice %run_scoped3A_18[%rem3A_305, %dma_wait3A, %dma_wait3A_308] : memref<2x128x256xf32, #tpu.memory_space<vmem>> -> memref<1x128x256xf32, #tpu.memory_space<vmem>>
            %dma_wait3A_310 = tpu.memref_squeeze %dma_wait3A_309 : memref<1x128x256xf32, #tpu.memory_space<vmem>> -> memref<128x256xf32, #tpu.memory_space<vmem>>
            %dma_wait3A_311 = arith.constant 0 : i32
            %dma_wait3A_312 = tpu.memref_slice %arg4[%mul3A_307, %dma_wait3A_311] : memref<2048x256xf32, #tpu.memory_space<hbm>> -> memref<128x256xf32, #tpu.memory_space<hbm>>
            %dma_wait3A_313 = tpu.memref_slice %run_scoped3A_19[%rem3A_305] : memref<2x!tpu.dma_semaphore, #tpu.memory_space<semaphore_mem>> -> memref<1x!tpu.dma_semaphore, #tpu.memory_space<semaphore_mem>>
            %dma_wait3A_314 = tpu.memref_squeeze %dma_wait3A_313 : memref<1x!tpu.dma_semaphore, #tpu.memory_space<semaphore_mem>> -> memref<!tpu.dma_semaphore, #tpu.memory_space<semaphore_mem>>
            %dma_wait3A_315 = arith.constant 0 : i32
            %dma_wait3A_316 = tpu.memref_slice %arg4[%mul3A_307, %dma_wait3A_315] : memref<2048x256xf32, #tpu.memory_space<hbm>> -> memref<128x256xf32, #tpu.memory_space<hbm>>
            %dma_wait3A_317 = arith.constant 0 : i32
            %dma_wait3A_318 = arith.constant 0 : i32
            %dma_wait3A_319 = tpu.memref_slice %run_scoped3A_18[%rem3A_305, %dma_wait3A_317, %dma_wait3A_318] : memref<2x128x256xf32, #tpu.memory_space<vmem>> -> memref<1x128x256xf32, #tpu.memory_space<vmem>>
            %dma_wait3A_320 = tpu.memref_squeeze %dma_wait3A_319 : memref<1x128x256xf32, #tpu.memory_space<vmem>> -> memref<128x256xf32, #tpu.memory_space<vmem>>
            tpu.wait_dma2 semaphore(%dma_wait3A_314 : memref<!tpu.dma_semaphore, #tpu.memory_space<semaphore_mem>>) src(%dma_wait3A_320 : memref<128x256xf32, #tpu.memory_space<vmem>>) dst(%dma_wait3A_316 : memref<128x256xf32, #tpu.memory_space<hbm>>)
            "tpu.trace_stop"() : () -> ()
          } else {
          }
          %and3A_283 = arith.constant true
          %and3A_284 = arith.andi %and3A_279, %and3A_283 : i1
          %add3A_285 = arith.constant 1 : i32
          %add3A_286 = arith.addi %while3A_146, %add3A_285 : i32
          %select_n3A_287 = arith.select %and3A_284, %add3A_286, %while3A_146 : i32
          %ne3A_288 = arith.cmpi ne, %add3A_155, %add3A_173 : i32
          %or3A_289 = arith.constant false
          %or3A_290 = arith.ori %or3A_289, %ne3A_288 : i1
          %or3A_291 = arith.constant false
          %or3A_292 = arith.ori %or3A_290, %or3A_291 : i1
          %or3A_293 = arith.ori %or3A_292, %eq3A_154 : i1
          %add3A_294 = arith.constant 1 : i32
          %add3A_295 = arith.addi %while3A_144, %add3A_294 : i32
          %select_n3A_296 = arith.select %or3A_293, %add3A_295, %while3A_144 : i32
          %add3A_297 = arith.constant 1 : i32
          %add3A_298 = arith.addi %while3A_147, %add3A_297 : i32
          %select_n3A_299 = arith.constant true
          %select_n3A_300 = arith.select %select_n3A_299, %add3A_298, %while3A_147 : i32
          %eq3A_301 = arith.cmpi eq, %select_n3A_300, %select_n3A : i32
          %select_n3A_302 = arith.constant 0 : i32
          %select_n3A_303 = arith.select %eq3A_301, %select_n3A_302, %select_n3A_300 : i32
          scf.yield %select_n3A_197, %select_n3A_296, %select_n3A_258, %select_n3A_287, %select_n3A_303 : i32, i32, i32, i32, i32
        }
        %sub3A_91 = arith.constant 1 : i32
        %sub3A_92 = arith.subi %while3A_90#4, %sub3A_91 : i32
        %select_n3A_93 = arith.constant true
        %select_n3A_94 = arith.select %select_n3A_93, %sub3A_92, %while3A_90#4 : i32
        %eq3A_95 = arith.constant -1 : i32
        %eq3A_96 = arith.cmpi eq, %select_n3A_94, %eq3A_95 : i32
        %sub3A_97 = arith.constant 1 : i32
        %sub3A_98 = arith.subi %select_n3A, %sub3A_97 : i32
        %select_n3A_99 = arith.select %eq3A_96, %sub3A_98, %select_n3A_94 : i32
        %sub3A_100 = arith.constant 1 : i32
        %sub3A_101 = arith.subi %mul3A_16, %sub3A_100 : i32
        %mul3A_102 = arith.constant 1 : i32
        %mul3A_103 = arith.muli %mul3A_102, %select_n3A : i32
        %eq3A_104 = arith.constant 0 : i32
        %eq3A_105 = arith.cmpi eq, %sub3A_101, %eq3A_104 : i32
        %sub3A_106 = arith.constant 1 : i32
        %sub3A_107 = arith.subi %mul3A_103, %sub3A_106 : i32
        %eq3A_108 = arith.cmpi eq, %sub3A_101, %sub3A_107 : i32
        %add3A_109 = arith.addi %select_n3A_99, %select_n3A_14 : i32
        %sub3A_110 = arith.constant 1 : i32
        %sub3A_111 = arith.subi %select_n3A_99, %sub3A_110 : i32
        %select_n3A_112 = arith.constant true
        %select_n3A_113 = arith.select %select_n3A_112, %sub3A_111, %select_n3A_99 : i32
        %eq3A_114 = arith.constant -1 : i32
        %eq3A_115 = arith.cmpi eq, %select_n3A_113, %eq3A_114 : i32
        %sub3A_116 = arith.constant 1 : i32
        %sub3A_117 = arith.subi %select_n3A, %sub3A_116 : i32
        %select_n3A_118 = arith.select %eq3A_115, %sub3A_117, %select_n3A_113 : i32
        %add3A_119 = arith.addi %select_n3A_118, %select_n3A_14 : i32
        %add3A_120 = arith.constant 1 : i32
        %add3A_121 = arith.addi %select_n3A_99, %add3A_120 : i32
        %select_n3A_122 = arith.constant true
        %select_n3A_123 = arith.select %select_n3A_122, %add3A_121, %select_n3A_99 : i32
        %eq3A_124 = arith.cmpi eq, %select_n3A_123, %select_n3A : i32
        %select_n3A_125 = arith.constant 0 : i32
        %select_n3A_126 = arith.select %eq3A_124, %select_n3A_125, %select_n3A_123 : i32
        %add3A_127 = arith.addi %select_n3A_126, %select_n3A_14 : i32
        %add3A_128 = arith.constant 1 : i32
        %add3A_129 = arith.addi %select_n3A_126, %add3A_128 : i32
        %select_n3A_130 = arith.constant true
        %select_n3A_131 = arith.select %select_n3A_130, %add3A_129, %select_n3A_126 : i32
        %eq3A_132 = arith.cmpi eq, %select_n3A_131, %select_n3A : i32
        %select_n3A_133 = arith.constant 0 : i32
        %select_n3A_134 = arith.select %eq3A_132, %select_n3A_133, %select_n3A_131 : i32
        %add3A_135 = arith.addi %select_n3A_134, %select_n3A_14 : i32
        %convert_element_type3A_136 = arith.extui %eq3A_108 : i1 to i32
        %cond3A_137 = arith.constant 0 : i32
        %cond3A_138 = arith.cmpi ne, %convert_element_type3A_136, %cond3A_137 : i32
        scf.if %cond3A_138 {
        } else {
        }
        %convert_element_type3A_139 = arith.extui %eq3A_108 : i1 to i32
        %cond3A_140 = arith.constant 0 : i32
        %cond3A_141 = arith.cmpi ne, %convert_element_type3A_139, %cond3A_140 : i32
        scf.if %cond3A_141 {
          "tpu.trace_start"() <{level = 10 : i32, message = "ep_finalize"}> : () -> ()
          %rem3A_142 = arith.constant 2 : i32
          %rem3A_143 = arith.remui %while3A_90#3, %rem3A_142 : i32
          %mul3A_144 = arith.constant 128 : i32
          %mul3A_145 = arith.muli %mul3A_144, %add3A_109 : i32
          %dma_wait3A = arith.constant 0 : i32
          %dma_wait3A_146 = arith.constant 0 : i32
          %dma_wait3A_147 = tpu.memref_slice %run_scoped3A_18[%rem3A_143, %dma_wait3A, %dma_wait3A_146] : memref<2x128x256xf32, #tpu.memory_space<vmem>> -> memref<1x128x256xf32, #tpu.memory_space<vmem>>
          %dma_wait3A_148 = tpu.memref_squeeze %dma_wait3A_147 : memref<1x128x256xf32, #tpu.memory_space<vmem>> -> memref<128x256xf32, #tpu.memory_space<vmem>>
          %dma_wait3A_149 = arith.constant 0 : i32
          %dma_wait3A_150 = tpu.memref_slice %arg4[%mul3A_145, %dma_wait3A_149] : memref<2048x256xf32, #tpu.memory_space<hbm>> -> memref<128x256xf32, #tpu.memory_space<hbm>>
          %dma_wait3A_151 = tpu.memref_slice %run_scoped3A_19[%rem3A_143] : memref<2x!tpu.dma_semaphore, #tpu.memory_space<semaphore_mem>> -> memref<1x!tpu.dma_semaphore, #tpu.memory_space<semaphore_mem>>
          %dma_wait3A_152 = tpu.memref_squeeze %dma_wait3A_151 : memref<1x!tpu.dma_semaphore, #tpu.memory_space<semaphore_mem>> -> memref<!tpu.dma_semaphore, #tpu.memory_space<semaphore_mem>>
          %dma_wait3A_153 = arith.constant 0 : i32
          %dma_wait3A_154 = tpu.memref_slice %arg4[%mul3A_145, %dma_wait3A_153] : memref<2048x256xf32, #tpu.memory_space<hbm>> -> memref<128x256xf32, #tpu.memory_space<hbm>>
          %dma_wait3A_155 = arith.constant 0 : i32
          %dma_wait3A_156 = arith.constant 0 : i32
          %dma_wait3A_157 = tpu.memref_slice %run_scoped3A_18[%rem3A_143, %dma_wait3A_155, %dma_wait3A_156] : memref<2x128x256xf32, #tpu.memory_space<vmem>> -> memref<1x128x256xf32, #tpu.memory_space<vmem>>
          %dma_wait3A_158 = tpu.memref_squeeze %dma_wait3A_157 : memref<1x128x256xf32, #tpu.memory_space<vmem>> -> memref<128x256xf32, #tpu.memory_space<vmem>>
          tpu.wait_dma2 semaphore(%dma_wait3A_152 : memref<!tpu.dma_semaphore, #tpu.memory_space<semaphore_mem>>) src(%dma_wait3A_158 : memref<128x256xf32, #tpu.memory_space<vmem>>) dst(%dma_wait3A_154 : memref<128x256xf32, #tpu.memory_space<hbm>>)
          "tpu.trace_stop"() : () -> ()
        } else {
        }
      } else {
      }
      tpu.yield
    }) : () -> ()
    return
  }
}

module attributes {stable_mosaic.version = 14 : i64} {
  func.func @_scan_kernel(%arg0: memref<1024x512xf32, #tpu.memory_space<vmem>>, %arg1: memref<640x1024xf32, #tpu.memory_space<vmem>>, %arg2: memref<1024x1024xf32, #tpu.memory_space<vmem>>, %arg3: memref<1x1024xf32, #tpu.memory_space<vmem>>, %arg4: memref<1024x1544xf32, #tpu.memory_space<vmem>>, %arg5: memref<1x1544xf32, #tpu.memory_space<vmem>>, %arg6: memref<512x128xf32, #tpu.memory_space<vmem>>, %arg7: memref<1x2xf32, #tpu.memory_space<vmem>>, %arg8: memref<1024x1024xf32, #tpu.memory_space<vmem>>, %arg9: memref<32x512x128xf32, #tpu.memory_space<vmem>>, %arg10: memref<32x1024xf32, #tpu.memory_space<vmem>>, %arg11: memref<32x128xf32, #tpu.memory_space<vmem>>) attributes {dimension_semantics = [], scalar_prefetch = 0 : i64, scratch_operands = 3 : i64, tpu.core_type = #tpu.core_type<tc>} {
    %get3A = arith.constant 0 : index
    %get3A_0 = arith.constant 0 : index
    %get3A_1 = vector.load %arg7[%get3A, %get3A_0] : memref<1x2xf32, #tpu.memory_space<vmem>>, vector<1x1xf32>
    %get3A_2 = vector.extract %get3A_1[0, 0] : f32 from vector<1x1xf32>
    %get3A_3 = arith.constant 0 : index
    %get3A_4 = arith.constant 1 : index
    %get3A_5 = vector.load %arg7[%get3A_3, %get3A_4] : memref<1x2xf32, #tpu.memory_space<vmem>>, vector<1x1xf32>
    %get3A_6 = vector.extract %get3A_5[0, 0] : f32 from vector<1x1xf32>
    %get3A_7 = arith.constant 0 : index
    %get3A_8 = arith.constant 0 : index
    %get3A_9 = vector.load %arg6[%get3A_7, %get3A_8] : memref<512x128xf32, #tpu.memory_space<vmem>>, vector<512x128xf32>
    %broadcast_in_dim3A = vector.shape_cast %get3A_9 : vector<512x128xf32> to vector<1x512x128xf32>
    %broadcast_in_dim3A_10 = vector.shape_cast %broadcast_in_dim3A : vector<1x512x128xf32> to vector<1x512x128xf32>
    %broadcast_in_dim3A_11 = vector.broadcast %broadcast_in_dim3A_10 : vector<1x512x128xf32> to vector<32x512x128xf32>
    %swap3A = arith.constant 0 : index
    %swap3A_12 = arith.constant 0 : index
    %swap3A_13 = arith.constant 0 : index
    %swap3A_14 = vector.load %arg9[%swap3A, %swap3A_12, %swap3A_13] : memref<32x512x128xf32, #tpu.memory_space<vmem>>, vector<32x512x128xf32>
    tpu.vector_store %arg9[%swap3A, %swap3A_12, %swap3A_13], %broadcast_in_dim3A_11 {strides = array<i32>} : memref<32x512x128xf32, #tpu.memory_space<vmem>>, vector<32x512x128xf32>,
    %broadcast_in_dim3A_15 = arith.constant 0.000000e+00 : f32
    %broadcast_in_dim3A_16 = vector.broadcast %broadcast_in_dim3A_15 : f32 to vector<32x1024xf32>
    %swap3A_17 = arith.constant 0 : index
    %swap3A_18 = arith.constant 0 : index
    %swap3A_19 = vector.load %arg10[%swap3A_17, %swap3A_18] : memref<32x1024xf32, #tpu.memory_space<vmem>>, vector<32x1024xf32>
    tpu.vector_store %arg10[%swap3A_17, %swap3A_18], %broadcast_in_dim3A_16 {strides = array<i32>} : memref<32x1024xf32, #tpu.memory_space<vmem>>, vector<32x1024xf32>,
    %broadcast_in_dim3A_20 = arith.constant 0.000000e+00 : f32
    %broadcast_in_dim3A_21 = vector.broadcast %broadcast_in_dim3A_20 : f32 to vector<32x128xf32>
    %swap3A_22 = arith.constant 0 : index
    %swap3A_23 = arith.constant 0 : index
    %swap3A_24 = vector.load %arg11[%swap3A_22, %swap3A_23] : memref<32x128xf32, #tpu.memory_space<vmem>>, vector<32x128xf32>
    tpu.vector_store %arg11[%swap3A_22, %swap3A_23], %broadcast_in_dim3A_21 {strides = array<i32>} : memref<32x128xf32, #tpu.memory_space<vmem>>, vector<32x128xf32>,
    %scan3A = arith.constant 0 : i32
    %scan3A_25 = arith.constant 32 : i32
    %scan3A_26 = arith.addi %scan3A, %scan3A_25 : i32
    %scan3A_27 = arith.constant 1 : i32
    scf.for %scan3A_29 = %scan3A to %scan3A_26 step %scan3A_27  : i32 {
      %get3A_30 = arith.constant 0 : index
      %get3A_31 = arith.constant 0 : index
      %get3A_32 = vector.load %arg10[%get3A_30, %get3A_31] : memref<32x1024xf32, #tpu.memory_space<vmem>>, vector<32x1024xf32>
      %get3A_33 = arith.constant 0 : index
      %get3A_34 = arith.constant 0 : index
      %get3A_35 = vector.load %arg11[%get3A_33, %get3A_34] : memref<32x128xf32, #tpu.memory_space<vmem>>, vector<32x128xf32>
      %mul3A = arith.constant 32 : i32
      %mul3A_36 = arith.muli %scan3A_29, %mul3A : i32
      %get3A_37 = arith.index_cast %mul3A_36 : i32 to index
      %get3A_38 = arith.constant 0 : index
      %get3A_39 = vector.load %arg0[%get3A_37, %get3A_38] : memref<1024x512xf32, #tpu.memory_space<vmem>>, vector<32x512xf32>
      %concatenate3A = tpu.concatenate %get3A_39, %get3A_35 in 1 : vector<32x512xf32>, vector<32x128xf32> -> vector<32x640xf32>
      %get3A_40 = arith.constant 0 : index
      %get3A_41 = arith.constant 0 : index
      %get3A_42 = vector.load %arg1[%get3A_40, %get3A_41] : memref<640x1024xf32, #tpu.memory_space<vmem>>, vector<640x1024xf32>
      %convert_element_type3A = arith.truncf %concatenate3A : vector<32x640xf32> to vector<32x640xbf16>
      %convert_element_type3A_43 = arith.truncf %get3A_42 : vector<640x1024xf32> to vector<640x1024xbf16>
      %dot_general3A = arith.constant dense<0.000000e+00> : vector<32x1024xf32>
      %dot_general3A_44 = tpu.matmul %convert_element_type3A, %convert_element_type3A_43, %dot_general3A {dimension_numbers = #tpu.dot_dimension_numbers<[1], [0], [0], [1], [0, 0, 1, 1], [], []>, transpose_lhs_hint = false} : vector<32x640xbf16>, vector<640x1024xbf16>, vector<32x1024xf32> -> vector<32x1024xf32>
      %get3A_45 = arith.constant 0 : index
      %get3A_46 = arith.constant 0 : index
      %get3A_47 = vector.load %arg2[%get3A_45, %get3A_46] : memref<1024x1024xf32, #tpu.memory_space<vmem>>, vector<1024x1024xf32>
      %convert_element_type3A_48 = arith.truncf %get3A_32 : vector<32x1024xf32> to vector<32x1024xbf16>
      %convert_element_type3A_49 = arith.truncf %get3A_47 : vector<1024x1024xf32> to vector<1024x1024xbf16>
      %dot_general3A_50 = arith.constant dense<0.000000e+00> : vector<32x1024xf32>
      %dot_general3A_51 = tpu.matmul %convert_element_type3A_48, %convert_element_type3A_49, %dot_general3A_50 {dimension_numbers = #tpu.dot_dimension_numbers<[1], [0], [0], [1], [0, 0, 1, 1], [], []>, transpose_lhs_hint = false} : vector<32x1024xbf16>, vector<1024x1024xbf16>, vector<32x1024xf32> -> vector<32x1024xf32>
      %add3A = arith.addf %dot_general3A_44, %dot_general3A_51 : vector<32x1024xf32>
      %get3A_52 = arith.constant 0 : index
      %get3A_53 = arith.constant 0 : index
      %get3A_54 = vector.load %arg3[%get3A_52, %get3A_53] : memref<1x1024xf32, #tpu.memory_space<vmem>>, vector<1x1024xf32>
      %add3A_55 = vector.broadcast %get3A_54 : vector<1x1024xf32> to vector<32x1024xf32>
      %add3A_56 = arith.addf %add3A, %add3A_55 : vector<32x1024xf32>
      %tanh3A = math.tanh %add3A_56 : vector<32x1024xf32>
      %mul3A_57 = arith.constant 32 : i32
      %mul3A_58 = arith.muli %scan3A_29, %mul3A_57 : i32
      %swap3A_59 = arith.index_cast %mul3A_58 : i32 to index
      %swap3A_60 = arith.constant 0 : index
      %swap3A_61 = vector.load %arg8[%swap3A_59, %swap3A_60] : memref<1024x1024xf32, #tpu.memory_space<vmem>>, vector<32x1024xf32>
      tpu.vector_store %arg8[%swap3A_59, %swap3A_60], %tanh3A {strides = array<i32>} : memref<1024x1024xf32, #tpu.memory_space<vmem>>, vector<32x1024xf32>,
      %get3A_62 = arith.constant 0 : index
      %get3A_63 = arith.constant 0 : index
      %get3A_64 = vector.load %arg4[%get3A_62, %get3A_63] : memref<1024x1544xf32, #tpu.memory_space<vmem>>, vector<1024x1544xf32>
      %convert_element_type3A_65 = arith.truncf %tanh3A : vector<32x1024xf32> to vector<32x1024xbf16>
      %convert_element_type3A_66 = arith.truncf %get3A_64 : vector<1024x1544xf32> to vector<1024x1544xbf16>
      %dot_general3A_67 = arith.constant dense<0.000000e+00> : vector<32x1544xf32>
      %dot_general3A_68 = tpu.matmul %convert_element_type3A_65, %convert_element_type3A_66, %dot_general3A_67 {dimension_numbers = #tpu.dot_dimension_numbers<[1], [0], [0], [1], [0, 0, 1, 1], [], []>, transpose_lhs_hint = false} : vector<32x1024xbf16>, vector<1024x1544xbf16>, vector<32x1544xf32> -> vector<32x1544xf32>
      %get3A_69 = arith.constant 0 : index
      %get3A_70 = arith.constant 0 : index
      %get3A_71 = vector.load %arg5[%get3A_69, %get3A_70] : memref<1x1544xf32, #tpu.memory_space<vmem>>, vector<1x1544xf32>
      %add3A_72 = vector.broadcast %get3A_71 : vector<1x1544xf32> to vector<32x1544xf32>
      %add3A_73 = arith.addf %dot_general3A_68, %add3A_72 : vector<32x1544xf32>
      %slice3A = vector.extract_strided_slice %add3A_73 {offsets = [0, 1536], sizes = [32, 8], strides = [1, 1]} : vector<32x1544xf32> to vector<32x8xf32>
      %logistic3A = arith.negf %slice3A : vector<32x8xf32>
      %logistic3A_74 = math.exp %logistic3A : vector<32x8xf32>
      %logistic3A_75 = arith.constant 1.000000e+00 : f32
      %logistic3A_76 = vector.broadcast %logistic3A_75 : f32 to vector<32x8xf32>
      %logistic3A_77 = arith.addf %logistic3A_76, %logistic3A_74 : vector<32x8xf32>
      %logistic3A_78 = arith.divf %logistic3A_76, %logistic3A_77 : vector<32x8xf32>
      %get3A_79 = arith.constant 0 : index
      %get3A_80 = arith.constant 0 : index
      %get3A_81 = arith.constant 0 : index
      %get3A_82 = vector.load %arg9[%get3A_79, %get3A_80, %get3A_81] : memref<32x512x128xf32, #tpu.memory_space<vmem>>, vector<32x512x128xf32>
      %slice3A_83 = vector.extract_strided_slice %add3A_73 {offsets = [0, 0], sizes = [32, 512], strides = [1, 1]} : vector<32x1544xf32> to vector<32x512xf32>
      %reshape3A = vector.shape_cast %slice3A_83 : vector<32x512xf32> to vector<32x4x128xf32>
      %slice3A_84 = vector.extract_strided_slice %add3A_73 {offsets = [0, 512], sizes = [32, 512], strides = [1, 1]} : vector<32x1544xf32> to vector<32x512xf32>
      %reshape3A_85 = vector.shape_cast %slice3A_84 : vector<32x512xf32> to vector<32x4x128xf32>
      %slice3A_86 = vector.extract_strided_slice %add3A_73 {offsets = [0, 1024], sizes = [32, 512], strides = [1, 1]} : vector<32x1544xf32> to vector<32x512xf32>
      %tanh3A_87 = math.tanh %slice3A_86 : vector<32x512xf32>
      %reshape3A_88 = vector.shape_cast %tanh3A_87 : vector<32x512xf32> to vector<32x4x128xf32>
      %convert_element_type3A_89 = arith.truncf %reshape3A : vector<32x4x128xf32> to vector<32x4x128xbf16>
      %convert_element_type3A_90 = arith.truncf %get3A_82 : vector<32x512x128xf32> to vector<32x512x128xbf16>
      %dot_general3A_91 = arith.constant dense<0.000000e+00> : vector<32x4x512xf32>
      %dot_general3A_92 = tpu.matmul %convert_element_type3A_89, %convert_element_type3A_90, %dot_general3A_91 {dimension_numbers = #tpu.dot_dimension_numbers<[2], [2], [1], [1], [0, 0, 0, 1, 1, 1], [0], [0]>, transpose_lhs_hint = false} : vector<32x4x128xbf16>, vector<32x512x128xbf16>, vector<32x4x512xf32> -> vector<32x4x512xf32>
      %mul3A_93 = vector.broadcast %get3A_2 : f32 to vector<32x4x512xf32>
      %mul3A_94 = arith.mulf %dot_general3A_92, %mul3A_93 : vector<32x4x512xf32>
      %iota3A = tpu.iota {dimensions = array<i32: 2>} : vector<32x4x512xi32>
      %reduce_max3A = arith.constant dense<0xFF800000> : vector<32x4xf32>
      %reduce_max3A_95 = vector.multi_reduction <maximumf>, %mul3A_94, %reduce_max3A [2] : vector<32x4x512xf32> to vector<32x4xf32>
      %broadcast_in_dim3A_96 = vector.shape_cast %reduce_max3A_95 : vector<32x4xf32> to vector<32x4x1xf32>
      %eq3A = vector.broadcast %broadcast_in_dim3A_96 : vector<32x4x1xf32> to vector<32x4x512xf32>
      %eq3A_97 = arith.cmpf oeq, %mul3A_94, %eq3A : vector<32x4x512xf32>
      %jit3A = arith.constant 512 : i32
      %broadcast_in_dim3A_98 = vector.broadcast %jit3A : i32 to vector<32x4x512xi32>
      %select_n3A = arith.select %eq3A_97, %iota3A, %broadcast_in_dim3A_98 : vector<32x4x512xi1>, vector<32x4x512xi32>
      %reduce_min3A = arith.constant dense<2147483647> : vector<32x4xi32>
      %reduce_min3A_99 = vector.multi_reduction <minsi>, %select_n3A, %reduce_min3A [2] : vector<32x4x512xi32> to vector<32x4xi32>
      %broadcast_in_dim3A_100 = vector.shape_cast %reduce_min3A_99 : vector<32x4xi32> to vector<32x4x1xi32>
      %eq3A_101 = vector.broadcast %broadcast_in_dim3A_100 : vector<32x4x1xi32> to vector<32x4x512xi32>
      %eq3A_102 = arith.cmpi eq, %iota3A, %eq3A_101 : vector<32x4x512xi32>
      %jit3A_103 = arith.constant 0xFF800000 : f32
      %broadcast_in_dim3A_104 = vector.broadcast %jit3A_103 : f32 to vector<32x4x512xf32>
      %select_n3A_105 = arith.select %eq3A_102, %broadcast_in_dim3A_104, %mul3A_94 : vector<32x4x512xi1>, vector<32x4x512xf32>
      %reduce_max3A_106 = arith.constant dense<0xFF800000> : vector<32x4xf32>
      %reduce_max3A_107 = vector.multi_reduction <maximumf>, %select_n3A_105, %reduce_max3A_106 [2] : vector<32x4x512xf32> to vector<32x4xf32>
      %broadcast_in_dim3A_108 = vector.shape_cast %reduce_max3A_107 : vector<32x4xf32> to vector<32x4x1xf32>
      %eq3A_109 = vector.broadcast %broadcast_in_dim3A_108 : vector<32x4x1xf32> to vector<32x4x512xf32>
      %eq3A_110 = arith.cmpf oeq, %select_n3A_105, %eq3A_109 : vector<32x4x512xf32>
      %jit3A_111 = arith.constant 512 : i32
      %broadcast_in_dim3A_112 = vector.broadcast %jit3A_111 : i32 to vector<32x4x512xi32>
      %select_n3A_113 = arith.select %eq3A_110, %iota3A, %broadcast_in_dim3A_112 : vector<32x4x512xi1>, vector<32x4x512xi32>
      %reduce_min3A_114 = arith.constant dense<2147483647> : vector<32x4xi32>
      %reduce_min3A_115 = vector.multi_reduction <minsi>, %select_n3A_113, %reduce_min3A_114 [2] : vector<32x4x512xi32> to vector<32x4xi32>
      %broadcast_in_dim3A_116 = vector.shape_cast %reduce_min3A_115 : vector<32x4xi32> to vector<32x4x1xi32>
      %eq3A_117 = vector.broadcast %broadcast_in_dim3A_116 : vector<32x4x1xi32> to vector<32x4x512xi32>
      %eq3A_118 = arith.cmpi eq, %iota3A, %eq3A_117 : vector<32x4x512xi32>
      %jit3A_119 = arith.constant 0xFF800000 : f32
      %broadcast_in_dim3A_120 = vector.broadcast %jit3A_119 : f32 to vector<32x4x512xf32>
      %select_n3A_121 = arith.select %eq3A_118, %broadcast_in_dim3A_120, %select_n3A_105 : vector<32x4x512xi1>, vector<32x4x512xf32>
      %reduce_max3A_122 = arith.constant dense<0xFF800000> : vector<32x4xf32>
      %reduce_max3A_123 = vector.multi_reduction <maximumf>, %select_n3A_121, %reduce_max3A_122 [2] : vector<32x4x512xf32> to vector<32x4xf32>
      %broadcast_in_dim3A_124 = vector.shape_cast %reduce_max3A_123 : vector<32x4xf32> to vector<32x4x1xf32>
      %eq3A_125 = vector.broadcast %broadcast_in_dim3A_124 : vector<32x4x1xf32> to vector<32x4x512xf32>
      %eq3A_126 = arith.cmpf oeq, %select_n3A_121, %eq3A_125 : vector<32x4x512xf32>
      %jit3A_127 = arith.constant 512 : i32
      %broadcast_in_dim3A_128 = vector.broadcast %jit3A_127 : i32 to vector<32x4x512xi32>
      %select_n3A_129 = arith.select %eq3A_126, %iota3A, %broadcast_in_dim3A_128 : vector<32x4x512xi1>, vector<32x4x512xi32>
      %reduce_min3A_130 = arith.constant dense<2147483647> : vector<32x4xi32>
      %reduce_min3A_131 = vector.multi_reduction <minsi>, %select_n3A_129, %reduce_min3A_130 [2] : vector<32x4x512xi32> to vector<32x4xi32>
      %broadcast_in_dim3A_132 = vector.shape_cast %reduce_min3A_131 : vector<32x4xi32> to vector<32x4x1xi32>
      %eq3A_133 = vector.broadcast %broadcast_in_dim3A_132 : vector<32x4x1xi32> to vector<32x4x512xi32>
      %eq3A_134 = arith.cmpi eq, %iota3A, %eq3A_133 : vector<32x4x512xi32>
      %jit3A_135 = arith.constant 0xFF800000 : f32
      %broadcast_in_dim3A_136 = vector.broadcast %jit3A_135 : f32 to vector<32x4x512xf32>
      %select_n3A_137 = arith.select %eq3A_134, %broadcast_in_dim3A_136, %select_n3A_121 : vector<32x4x512xi1>, vector<32x4x512xf32>
      %reduce_max3A_138 = arith.constant dense<0xFF800000> : vector<32x4xf32>
      %reduce_max3A_139 = vector.multi_reduction <maximumf>, %select_n3A_137, %reduce_max3A_138 [2] : vector<32x4x512xf32> to vector<32x4xf32>
      %broadcast_in_dim3A_140 = vector.shape_cast %reduce_max3A_139 : vector<32x4xf32> to vector<32x4x1xf32>
      %eq3A_141 = vector.broadcast %broadcast_in_dim3A_140 : vector<32x4x1xf32> to vector<32x4x512xf32>
      %eq3A_142 = arith.cmpf oeq, %select_n3A_137, %eq3A_141 : vector<32x4x512xf32>
      %jit3A_143 = arith.constant 512 : i32
      %broadcast_in_dim3A_144 = vector.broadcast %jit3A_143 : i32 to vector<32x4x512xi32>
      %select_n3A_145 = arith.select %eq3A_142, %iota3A, %broadcast_in_dim3A_144 : vector<32x4x512xi1>, vector<32x4x512xi32>
      %reduce_min3A_146 = arith.constant dense<2147483647> : vector<32x4xi32>
      %reduce_min3A_147 = vector.multi_reduction <minsi>, %select_n3A_145, %reduce_min3A_146 [2] : vector<32x4x512xi32> to vector<32x4xi32>
      %broadcast_in_dim3A_148 = vector.shape_cast %reduce_min3A_147 : vector<32x4xi32> to vector<32x4x1xi32>
      %eq3A_149 = vector.broadcast %broadcast_in_dim3A_148 : vector<32x4x1xi32> to vector<32x4x512xi32>
      %eq3A_150 = arith.cmpi eq, %iota3A, %eq3A_149 : vector<32x4x512xi32>
      %jit3A_151 = arith.constant 0xFF800000 : f32
      %broadcast_in_dim3A_152 = vector.broadcast %jit3A_151 : f32 to vector<32x4x512xf32>
      %select_n3A_153 = arith.select %eq3A_150, %broadcast_in_dim3A_152, %select_n3A_137 : vector<32x4x512xi1>, vector<32x4x512xf32>
      %reduce_max3A_154 = arith.constant dense<0xFF800000> : vector<32x4xf32>
      %reduce_max3A_155 = vector.multi_reduction <maximumf>, %select_n3A_153, %reduce_max3A_154 [2] : vector<32x4x512xf32> to vector<32x4xf32>
      %broadcast_in_dim3A_156 = vector.shape_cast %reduce_max3A_155 : vector<32x4xf32> to vector<32x4x1xf32>
      %eq3A_157 = vector.broadcast %broadcast_in_dim3A_156 : vector<32x4x1xf32> to vector<32x4x512xf32>
      %eq3A_158 = arith.cmpf oeq, %select_n3A_153, %eq3A_157 : vector<32x4x512xf32>
      %jit3A_159 = arith.constant 512 : i32
      %broadcast_in_dim3A_160 = vector.broadcast %jit3A_159 : i32 to vector<32x4x512xi32>
      %select_n3A_161 = arith.select %eq3A_158, %iota3A, %broadcast_in_dim3A_160 : vector<32x4x512xi1>, vector<32x4x512xi32>
      %reduce_min3A_162 = arith.constant dense<2147483647> : vector<32x4xi32>
      %reduce_min3A_163 = vector.multi_reduction <minsi>, %select_n3A_161, %reduce_min3A_162 [2] : vector<32x4x512xi32> to vector<32x4xi32>
      %broadcast_in_dim3A_164 = vector.shape_cast %reduce_min3A_163 : vector<32x4xi32> to vector<32x4x1xi32>
      %eq3A_165 = vector.broadcast %broadcast_in_dim3A_164 : vector<32x4x1xi32> to vector<32x4x512xi32>
      %eq3A_166 = arith.cmpi eq, %iota3A, %eq3A_165 : vector<32x4x512xi32>
      %jit3A_167 = arith.constant 0xFF800000 : f32
      %broadcast_in_dim3A_168 = vector.broadcast %jit3A_167 : f32 to vector<32x4x512xf32>
      %select_n3A_169 = arith.select %eq3A_166, %broadcast_in_dim3A_168, %select_n3A_153 : vector<32x4x512xi1>, vector<32x4x512xf32>
      %reduce_max3A_170 = arith.constant dense<0xFF800000> : vector<32x4xf32>
      %reduce_max3A_171 = vector.multi_reduction <maximumf>, %select_n3A_169, %reduce_max3A_170 [2] : vector<32x4x512xf32> to vector<32x4xf32>
      %broadcast_in_dim3A_172 = vector.shape_cast %reduce_max3A_171 : vector<32x4xf32> to vector<32x4x1xf32>
      %eq3A_173 = vector.broadcast %broadcast_in_dim3A_172 : vector<32x4x1xf32> to vector<32x4x512xf32>
      %eq3A_174 = arith.cmpf oeq, %select_n3A_169, %eq3A_173 : vector<32x4x512xf32>
      %jit3A_175 = arith.constant 512 : i32
      %broadcast_in_dim3A_176 = vector.broadcast %jit3A_175 : i32 to vector<32x4x512xi32>
      %select_n3A_177 = arith.select %eq3A_174, %iota3A, %broadcast_in_dim3A_176 : vector<32x4x512xi1>, vector<32x4x512xi32>
      %reduce_min3A_178 = arith.constant dense<2147483647> : vector<32x4xi32>
      %reduce_min3A_179 = vector.multi_reduction <minsi>, %select_n3A_177, %reduce_min3A_178 [2] : vector<32x4x512xi32> to vector<32x4xi32>
      %broadcast_in_dim3A_180 = vector.shape_cast %reduce_min3A_179 : vector<32x4xi32> to vector<32x4x1xi32>
      %eq3A_181 = vector.broadcast %broadcast_in_dim3A_180 : vector<32x4x1xi32> to vector<32x4x512xi32>
      %eq3A_182 = arith.cmpi eq, %iota3A, %eq3A_181 : vector<32x4x512xi32>
      %jit3A_183 = arith.constant 0xFF800000 : f32
      %broadcast_in_dim3A_184 = vector.broadcast %jit3A_183 : f32 to vector<32x4x512xf32>
      %select_n3A_185 = arith.select %eq3A_182, %broadcast_in_dim3A_184, %select_n3A_169 : vector<32x4x512xi1>, vector<32x4x512xf32>
      %reduce_max3A_186 = arith.constant dense<0xFF800000> : vector<32x4xf32>
      %reduce_max3A_187 = vector.multi_reduction <maximumf>, %select_n3A_185, %reduce_max3A_186 [2] : vector<32x4x512xf32> to vector<32x4xf32>
      %broadcast_in_dim3A_188 = vector.shape_cast %reduce_max3A_187 : vector<32x4xf32> to vector<32x4x1xf32>
      %eq3A_189 = vector.broadcast %broadcast_in_dim3A_188 : vector<32x4x1xf32> to vector<32x4x512xf32>
      %eq3A_190 = arith.cmpf oeq, %select_n3A_185, %eq3A_189 : vector<32x4x512xf32>
      %jit3A_191 = arith.constant 512 : i32
      %broadcast_in_dim3A_192 = vector.broadcast %jit3A_191 : i32 to vector<32x4x512xi32>
      %select_n3A_193 = arith.select %eq3A_190, %iota3A, %broadcast_in_dim3A_192 : vector<32x4x512xi1>, vector<32x4x512xi32>
      %reduce_min3A_194 = arith.constant dense<2147483647> : vector<32x4xi32>
      %reduce_min3A_195 = vector.multi_reduction <minsi>, %select_n3A_193, %reduce_min3A_194 [2] : vector<32x4x512xi32> to vector<32x4xi32>
      %broadcast_in_dim3A_196 = vector.shape_cast %reduce_min3A_195 : vector<32x4xi32> to vector<32x4x1xi32>
      %eq3A_197 = vector.broadcast %broadcast_in_dim3A_196 : vector<32x4x1xi32> to vector<32x4x512xi32>
      %eq3A_198 = arith.cmpi eq, %iota3A, %eq3A_197 : vector<32x4x512xi32>
      %jit3A_199 = arith.constant 0xFF800000 : f32
      %broadcast_in_dim3A_200 = vector.broadcast %jit3A_199 : f32 to vector<32x4x512xf32>
      %select_n3A_201 = arith.select %eq3A_198, %broadcast_in_dim3A_200, %select_n3A_185 : vector<32x4x512xi1>, vector<32x4x512xf32>
      %reduce_max3A_202 = arith.constant dense<0xFF800000> : vector<32x4xf32>
      %reduce_max3A_203 = vector.multi_reduction <maximumf>, %select_n3A_201, %reduce_max3A_202 [2] : vector<32x4x512xf32> to vector<32x4xf32>
      %broadcast_in_dim3A_204 = vector.shape_cast %reduce_max3A_203 : vector<32x4xf32> to vector<32x4x1xf32>
      %reduce_max3A_205 = arith.constant dense<0xFF800000> : vector<32x4xf32>
      %reduce_max3A_206 = vector.multi_reduction <maximumf>, %mul3A_94, %reduce_max3A_205 [2] : vector<32x4x512xf32> to vector<32x4xf32>
      %broadcast_in_dim3A_207 = vector.shape_cast %reduce_max3A_206 : vector<32x4xf32> to vector<32x4x1xf32>
      %ge3A = vector.broadcast %broadcast_in_dim3A_204 : vector<32x4x1xf32> to vector<32x4x512xf32>
      %ge3A_208 = arith.cmpf oge, %mul3A_94, %ge3A : vector<32x4x512xf32>
      %sub3A = vector.broadcast %broadcast_in_dim3A_207 : vector<32x4x1xf32> to vector<32x4x512xf32>
      %sub3A_209 = arith.subf %mul3A_94, %sub3A : vector<32x4x512xf32>
      %exp3A = math.exp %sub3A_209 : vector<32x4x512xf32>
      %jit3A_210 = arith.constant 0.000000e+00 : f32
      %broadcast_in_dim3A_211 = vector.broadcast %jit3A_210 : f32 to vector<32x4x512xf32>
      %select_n3A_212 = arith.select %ge3A_208, %exp3A, %broadcast_in_dim3A_211 : vector<32x4x512xi1>, vector<32x4x512xf32>
      %reduce_sum3A = arith.constant dense<0.000000e+00> : vector<32x4xf32>
      %reduce_sum3A_213 = vector.multi_reduction <add>, %select_n3A_212, %reduce_sum3A [2] : vector<32x4x512xf32> to vector<32x4xf32>
      %broadcast_in_dim3A_214 = vector.shape_cast %reduce_sum3A_213 : vector<32x4xf32> to vector<32x4x1xf32>
      %div3A = vector.broadcast %broadcast_in_dim3A_214 : vector<32x4x1xf32> to vector<32x4x512xf32>
      %div3A_215 = arith.divf %select_n3A_212, %div3A : vector<32x4x512xf32>
      %convert_element_type3A_216 = arith.truncf %div3A_215 : vector<32x4x512xf32> to vector<32x4x512xbf16>
      %convert_element_type3A_217 = arith.truncf %get3A_82 : vector<32x512x128xf32> to vector<32x512x128xbf16>
      %dot_general3A_218 = arith.constant dense<0.000000e+00> : vector<32x4x128xf32>
      %dot_general3A_219 = tpu.matmul %convert_element_type3A_216, %convert_element_type3A_217, %dot_general3A_218 {dimension_numbers = #tpu.dot_dimension_numbers<[2], [1], [1], [2], [0, 0, 0, 1, 1, 2], [0], [0]>, transpose_lhs_hint = false} : vector<32x4x512xbf16>, vector<32x512x128xbf16>, vector<32x4x128xf32> -> vector<32x4x128xf32>
      %slice3A_220 = vector.extract_strided_slice %dot_general3A_219 {offsets = [0, 0, 0], sizes = [32, 1, 128], strides = [1, 1, 1]} : vector<32x4x128xf32> to vector<32x1x128xf32>
      %squeeze3A = vector.shape_cast %slice3A_220 : vector<32x1x128xf32> to vector<32x128xf32>
      %slice3A_221 = vector.extract_strided_slice %dot_general3A_219 {offsets = [0, 1, 0], sizes = [32, 1, 128], strides = [1, 1, 1]} : vector<32x4x128xf32> to vector<32x1x128xf32>
      %squeeze3A_222 = vector.shape_cast %slice3A_221 : vector<32x1x128xf32> to vector<32x128xf32>
      %add3A_223 = arith.addf %squeeze3A, %squeeze3A_222 : vector<32x128xf32>
      %slice3A_224 = vector.extract_strided_slice %dot_general3A_219 {offsets = [0, 2, 0], sizes = [32, 1, 128], strides = [1, 1, 1]} : vector<32x4x128xf32> to vector<32x1x128xf32>
      %squeeze3A_225 = vector.shape_cast %slice3A_224 : vector<32x1x128xf32> to vector<32x128xf32>
      %add3A_226 = arith.addf %add3A_223, %squeeze3A_225 : vector<32x128xf32>
      %slice3A_227 = vector.extract_strided_slice %dot_general3A_219 {offsets = [0, 3, 0], sizes = [32, 1, 128], strides = [1, 1, 1]} : vector<32x4x128xf32> to vector<32x1x128xf32>
      %squeeze3A_228 = vector.shape_cast %slice3A_227 : vector<32x1x128xf32> to vector<32x128xf32>
      %add3A_229 = arith.addf %add3A_226, %squeeze3A_228 : vector<32x128xf32>
      %mul3A_230 = arith.constant 2.500000e-01 : f32
      %mul3A_231 = vector.broadcast %mul3A_230 : f32 to vector<32x128xf32>
      %mul3A_232 = arith.mulf %add3A_229, %mul3A_231 : vector<32x128xf32>
      %convert_element_type3A_233 = arith.truncf %reshape3A_85 : vector<32x4x128xf32> to vector<32x4x128xbf16>
      %convert_element_type3A_234 = arith.truncf %get3A_82 : vector<32x512x128xf32> to vector<32x512x128xbf16>
      %dot_general3A_235 = arith.constant dense<0.000000e+00> : vector<32x4x512xf32>
      %dot_general3A_236 = tpu.matmul %convert_element_type3A_233, %convert_element_type3A_234, %dot_general3A_235 {dimension_numbers = #tpu.dot_dimension_numbers<[2], [2], [1], [1], [0, 0, 0, 1, 1, 1], [0], [0]>, transpose_lhs_hint = false} : vector<32x4x128xbf16>, vector<32x512x128xbf16>, vector<32x4x512xf32> -> vector<32x4x512xf32>
      %mul3A_237 = vector.broadcast %get3A_6 : f32 to vector<32x4x512xf32>
      %mul3A_238 = arith.mulf %dot_general3A_236, %mul3A_237 : vector<32x4x512xf32>
      %reduce_max3A_239 = arith.constant dense<0xFF800000> : vector<32x4xf32>
      %reduce_max3A_240 = vector.multi_reduction <maximumf>, %mul3A_238, %reduce_max3A_239 [2] : vector<32x4x512xf32> to vector<32x4xf32>
      %broadcast_in_dim3A_241 = vector.shape_cast %reduce_max3A_240 : vector<32x4xf32> to vector<32x4x1xf32>
      %sub3A_242 = vector.broadcast %broadcast_in_dim3A_241 : vector<32x4x1xf32> to vector<32x4x512xf32>
      %sub3A_243 = arith.subf %mul3A_238, %sub3A_242 : vector<32x4x512xf32>
      %exp3A_244 = math.exp %sub3A_243 : vector<32x4x512xf32>
      %reduce_sum3A_245 = arith.constant dense<0.000000e+00> : vector<32x4xf32>
      %reduce_sum3A_246 = vector.multi_reduction <add>, %exp3A_244, %reduce_sum3A_245 [2] : vector<32x4x512xf32> to vector<32x4xf32>
      %broadcast_in_dim3A_247 = vector.shape_cast %reduce_sum3A_246 : vector<32x4xf32> to vector<32x4x1xf32>
      %div3A_248 = vector.broadcast %broadcast_in_dim3A_247 : vector<32x4x1xf32> to vector<32x4x512xf32>
      %div3A_249 = arith.divf %exp3A_244, %div3A_248 : vector<32x4x512xf32>
      %slice3A_250 = vector.extract_strided_slice %logistic3A_78 {offsets = [0, 0], sizes = [32, 4], strides = [1, 1]} : vector<32x8xf32> to vector<32x4xf32>
      %slice3A_251 = vector.extract_strided_slice %logistic3A_78 {offsets = [0, 4], sizes = [32, 4], strides = [1, 1]} : vector<32x8xf32> to vector<32x4xf32>
      %slice3A_252 = vector.extract_strided_slice %div3A_249 {offsets = [0, 0, 0], sizes = [32, 1, 512], strides = [1, 1, 1]} : vector<32x4x512xf32> to vector<32x1x512xf32>
      %squeeze3A_253 = vector.shape_cast %slice3A_252 : vector<32x1x512xf32> to vector<32x512xf32>
      %slice3A_254 = vector.extract_strided_slice %slice3A_250 {offsets = [0, 0], sizes = [32, 1], strides = [1, 1]} : vector<32x4xf32> to vector<32x1xf32>
      %mul3A_255 = vector.broadcast %slice3A_254 : vector<32x1xf32> to vector<32x512xf32>
      %mul3A_256 = arith.mulf %squeeze3A_253, %mul3A_255 : vector<32x512xf32>
      %sub3A_257 = arith.constant 1.000000e+00 : f32
      %sub3A_258 = vector.broadcast %sub3A_257 : f32 to vector<32x512xf32>
      %sub3A_259 = arith.subf %sub3A_258, %mul3A_256 : vector<32x512xf32>
      %slice3A_260 = vector.extract_strided_slice %div3A_249 {offsets = [0, 1, 0], sizes = [32, 1, 512], strides = [1, 1, 1]} : vector<32x4x512xf32> to vector<32x1x512xf32>
      %squeeze3A_261 = vector.shape_cast %slice3A_260 : vector<32x1x512xf32> to vector<32x512xf32>
      %slice3A_262 = vector.extract_strided_slice %slice3A_250 {offsets = [0, 1], sizes = [32, 1], strides = [1, 1]} : vector<32x4xf32> to vector<32x1xf32>
      %mul3A_263 = vector.broadcast %slice3A_262 : vector<32x1xf32> to vector<32x512xf32>
      %mul3A_264 = arith.mulf %squeeze3A_261, %mul3A_263 : vector<32x512xf32>
      %sub3A_265 = arith.constant 1.000000e+00 : f32
      %sub3A_266 = vector.broadcast %sub3A_265 : f32 to vector<32x512xf32>
      %sub3A_267 = arith.subf %sub3A_266, %mul3A_264 : vector<32x512xf32>
      %mul3A_268 = arith.mulf %sub3A_259, %sub3A_267 : vector<32x512xf32>
      %slice3A_269 = vector.extract_strided_slice %div3A_249 {offsets = [0, 2, 0], sizes = [32, 1, 512], strides = [1, 1, 1]} : vector<32x4x512xf32> to vector<32x1x512xf32>
      %squeeze3A_270 = vector.shape_cast %slice3A_269 : vector<32x1x512xf32> to vector<32x512xf32>
      %slice3A_271 = vector.extract_strided_slice %slice3A_250 {offsets = [0, 2], sizes = [32, 1], strides = [1, 1]} : vector<32x4xf32> to vector<32x1xf32>
      %mul3A_272 = vector.broadcast %slice3A_271 : vector<32x1xf32> to vector<32x512xf32>
      %mul3A_273 = arith.mulf %squeeze3A_270, %mul3A_272 : vector<32x512xf32>
      %sub3A_274 = arith.constant 1.000000e+00 : f32
      %sub3A_275 = vector.broadcast %sub3A_274 : f32 to vector<32x512xf32>
      %sub3A_276 = arith.subf %sub3A_275, %mul3A_273 : vector<32x512xf32>
      %mul3A_277 = arith.mulf %mul3A_268, %sub3A_276 : vector<32x512xf32>
      %slice3A_278 = vector.extract_strided_slice %div3A_249 {offsets = [0, 3, 0], sizes = [32, 1, 512], strides = [1, 1, 1]} : vector<32x4x512xf32> to vector<32x1x512xf32>
      %squeeze3A_279 = vector.shape_cast %slice3A_278 : vector<32x1x512xf32> to vector<32x512xf32>
      %slice3A_280 = vector.extract_strided_slice %slice3A_250 {offsets = [0, 3], sizes = [32, 1], strides = [1, 1]} : vector<32x4xf32> to vector<32x1xf32>
      %mul3A_281 = vector.broadcast %slice3A_280 : vector<32x1xf32> to vector<32x512xf32>
      %mul3A_282 = arith.mulf %squeeze3A_279, %mul3A_281 : vector<32x512xf32>
      %sub3A_283 = arith.constant 1.000000e+00 : f32
      %sub3A_284 = vector.broadcast %sub3A_283 : f32 to vector<32x512xf32>
      %sub3A_285 = arith.subf %sub3A_284, %mul3A_282 : vector<32x512xf32>
      %mul3A_286 = arith.mulf %mul3A_277, %sub3A_285 : vector<32x512xf32>
      %broadcast_in_dim3A_287 = vector.shape_cast %slice3A_251 : vector<32x4xf32> to vector<32x4x1xf32>
      %mul3A_288 = vector.broadcast %broadcast_in_dim3A_287 : vector<32x4x1xf32> to vector<32x4x512xf32>
      %mul3A_289 = arith.mulf %div3A_249, %mul3A_288 : vector<32x4x512xf32>
      %convert_element_type3A_290 = arith.truncf %mul3A_289 : vector<32x4x512xf32> to vector<32x4x512xbf16>
      %convert_element_type3A_291 = arith.truncf %reshape3A_88 : vector<32x4x128xf32> to vector<32x4x128xbf16>
      %dot_general3A_292 = arith.constant dense<0.000000e+00> : vector<32x512x128xf32>
      %dot_general3A_293 = tpu.matmul %convert_element_type3A_290, %convert_element_type3A_291, %dot_general3A_292 {dimension_numbers = #tpu.dot_dimension_numbers<[1], [1], [2], [2], [0, 0, 0, 2, 1, 2], [0], [0]>, transpose_lhs_hint = false} : vector<32x4x512xbf16>, vector<32x4x128xbf16>, vector<32x512x128xf32> -> vector<32x512x128xf32>
      %broadcast_in_dim3A_294 = vector.shape_cast %mul3A_286 : vector<32x512xf32> to vector<32x512x1xf32>
      %mul3A_295 = vector.broadcast %broadcast_in_dim3A_294 : vector<32x512x1xf32> to vector<32x512x128xf32>
      %mul3A_296 = arith.mulf %get3A_82, %mul3A_295 : vector<32x512x128xf32>
      %add3A_297 = arith.addf %mul3A_296, %dot_general3A_293 : vector<32x512x128xf32>
      %swap3A_298 = arith.constant 0 : index
      %swap3A_299 = arith.constant 0 : index
      %swap3A_300 = arith.constant 0 : index
      %swap3A_301 = vector.load %arg9[%swap3A_298, %swap3A_299, %swap3A_300] : memref<32x512x128xf32, #tpu.memory_space<vmem>>, vector<32x512x128xf32>
      tpu.vector_store %arg9[%swap3A_298, %swap3A_299, %swap3A_300], %add3A_297 {strides = array<i32>} : memref<32x512x128xf32, #tpu.memory_space<vmem>>, vector<32x512x128xf32>,
      %swap3A_302 = arith.constant 0 : index
      %swap3A_303 = arith.constant 0 : index
      %swap3A_304 = vector.load %arg11[%swap3A_302, %swap3A_303] : memref<32x128xf32, #tpu.memory_space<vmem>>, vector<32x128xf32>
      tpu.vector_store %arg11[%swap3A_302, %swap3A_303], %mul3A_232 {strides = array<i32>} : memref<32x128xf32, #tpu.memory_space<vmem>>, vector<32x128xf32>,
      %swap3A_305 = arith.constant 0 : index
      %swap3A_306 = arith.constant 0 : index
      %swap3A_307 = vector.load %arg10[%swap3A_305, %swap3A_306] : memref<32x1024xf32, #tpu.memory_space<vmem>>, vector<32x1024xf32>
      tpu.vector_store %arg10[%swap3A_305, %swap3A_306], %tanh3A {strides = array<i32>} : memref<32x1024xf32, #tpu.memory_space<vmem>>, vector<32x1024xf32>,
    }
    %scan3A_28 = arith.constant 32 : i32
    return
  }
}

module attributes {stable_mosaic.version = 14 : i64} {
  func.func @_logits_kernel(%arg0: i32, %arg1: memref<1024x1024xf32, #tpu.memory_space<vmem>>, %arg2: memref<1024x1024xf32, #tpu.memory_space<vmem>>, %arg3: memref<1x1024xf32, #tpu.memory_space<vmem>>, %arg4: memref<1024x1024xf32, #tpu.memory_space<vmem>>) attributes {dimension_semantics = [#tpu.dimension_semantics<arbitrary>], iteration_bounds = array<i64: 8>, scalar_prefetch = 0 : i64, scratch_operands = 0 : i64, tpu.core_type = #tpu.core_type<tc>, window_params = [{pipeline_mode = #tpu.pipeline_mode<synchronous>, transform_indices = @transform_0, window_bounds = array<i64: 1024, 1024>}, {transform_indices = @transform_1, window_bounds = array<i64: 1024, 1024>}, {transform_indices = @transform_2, window_bounds = array<i64: 1, 1024>}, {transform_indices = @transform_3, window_bounds = array<i64: 1024, 1024>}]} {
    %get3A = arith.constant 0 : index
    %get3A_0 = arith.constant 0 : index
    %get3A_1 = vector.load %arg1[%get3A, %get3A_0] : memref<1024x1024xf32, #tpu.memory_space<vmem>>, vector<1024x1024xf32>
    %get3A_2 = arith.constant 0 : index
    %get3A_3 = arith.constant 0 : index
    %get3A_4 = vector.load %arg2[%get3A_2, %get3A_3] : memref<1024x1024xf32, #tpu.memory_space<vmem>>, vector<1024x1024xf32>
    %convert_element_type3A = arith.truncf %get3A_1 : vector<1024x1024xf32> to vector<1024x1024xbf16>
    %convert_element_type3A_5 = arith.truncf %get3A_4 : vector<1024x1024xf32> to vector<1024x1024xbf16>
    %dot_general3A = arith.constant dense<0.000000e+00> : vector<1024x1024xf32>
    %dot_general3A_6 = tpu.matmul %convert_element_type3A, %convert_element_type3A_5, %dot_general3A {dimension_numbers = #tpu.dot_dimension_numbers<[1], [0], [0], [1], [0, 0, 1, 1], [], []>, transpose_lhs_hint = false} : vector<1024x1024xbf16>, vector<1024x1024xbf16>, vector<1024x1024xf32> -> vector<1024x1024xf32>
    %get3A_7 = arith.constant 0 : index
    %get3A_8 = arith.constant 0 : index
    %get3A_9 = vector.load %arg3[%get3A_7, %get3A_8] : memref<1x1024xf32, #tpu.memory_space<vmem>>, vector<1x1024xf32>
    %add3A = vector.broadcast %get3A_9 : vector<1x1024xf32> to vector<1024x1024xf32>
    %add3A_10 = arith.addf %dot_general3A_6, %add3A : vector<1024x1024xf32>
    %swap3A = arith.constant 0 : index
    %swap3A_11 = arith.constant 0 : index
    %swap3A_12 = vector.load %arg4[%swap3A, %swap3A_11] : memref<1024x1024xf32, #tpu.memory_space<vmem>>, vector<1024x1024xf32>
    tpu.vector_store %arg4[%swap3A, %swap3A_11], %add3A_10 {strides = array<i32>} : memref<1024x1024xf32, #tpu.memory_space<vmem>>, vector<1024x1024xf32>,
    return
  }
  func.func @transform_0(%arg0: i32) -> (i32, i32) {
    %c0_i32 = arith.constant 0 : i32
    %c0_i32_0 = arith.constant 0 : i32
    %c0_i32_1 = arith.constant 0 : i32
    return %c0_i32, %c0_i32_0 : i32, i32
  }
  func.func @transform_1(%arg0: i32) -> (i32, i32) {
    %c0_i32 = arith.constant 0 : i32
    %c0_i32_0 = arith.constant 0 : i32
    return %c0_i32, %arg0 : i32, i32
  }
  func.func @transform_2(%arg0: i32) -> (i32, i32) {
    %c0_i32 = arith.constant 0 : i32
    %c0_i32_0 = arith.constant 0 : i32
    return %c0_i32, %arg0 : i32, i32
  }
  func.func @transform_3(%arg0: i32) -> (i32, i32) {
    %c0_i32 = arith.constant 0 : i32
    %c0_i32_0 = arith.constant 0 : i32
    return %c0_i32, %arg0 : i32, i32
  }
}

</mosaic_0001>

<sc_bundles>
// kernel: kernel.5.cloned.1.call-start
scs
__scs_entry_jumppad:
0x0: {  	(pc) =	sbr.rel $0x88, $3  }
0x1: {  	(tag) =	ssettag $0x0;
	lr =	simm.s32 $0x1  }
0x2: {  	[smem:$0x3F95] =	sst lr;
	_ =	strace $0xD0000000  }
0x3: {  	_ = 	snop  }
0x4: {  	_ = 	snop  }
0x5: {  	_ = 	snop  }
0x6: {  	_ = 	snop  }
0x7: {  	_ = 	snop  }
__scs_overlays_trampoline_lowered:
0x8: {  	[smem:$0x3FA4] =	sst s0  }
0x9: {  	[smem:$0x3FA5] =	sst s1  }
0xa: {  	[smem:$0x3FA6] =	sst s2  }
0xb: {  	[smem:$0x3FA7] =	sst s3  }
0xc: {  	[smem:$0x3FA8] =	sst s4  }
0xd: {  	[smem:$0x3FA9] =	sst s5  }
0xe: {  	[smem:$0x3FAA] =	sst s6  }
0xf: {  	[smem:$0x3FAB] =	sst s7  }
0x10: {  	[smem:$0x3FAC] =	sst s8  }
0x11: {  	[smem:$0x3FAD] =	sst s9;
	s0 =	simm.s32 @!p0 $0x0  }
0x12: {  	s1 =	sld [smem:$0x3F93];
	s0 =	simm.s32 @p0 $0x1  }
0x13: {  	[smem:$0x3FAE] =	sst s0;
	s0 =	simm.s32 @!p1 $0x0  }
0x14: {  	s2 =	sld [smem:$0x3F92];
	s0 =	simm.s32 @p1 $0x1  }
0x15: {  	[smem:$0x3FAF] =	sst s0;
	s0 =	simm.s32 @!p2 $0x0  }
0x16: {  	s3 =	sld [smem:$0x3FDB];
	s0 =	simm.s32 @p2 $0x1  }
0x17: {  	s4 =	simm.s32 $0x1BF5;
	[smem:$0x3FB1] =	sst s0  }
0x18: {  	s0 =	sld [smem:$0x3F94];
	_ =	swait.ge [sflag:s4], $0x0  }
0x19: {  	s7 =	sld [smem:$0x3F95]  }
0x1a: {  	s8 =	sadd.s32 $0xFFFFE003, lr  }
0x1b: {  	s9 =	sadd.s32 $0xFFFFFEF7, lr;
	s5 =	simm.s32 $0xFFFFFFFF;
	p2 =	slt.u32 s8, $0xFFFFF086  }
0x1c: {  	p1 =	slt.u32 s9, $0xF7A;
	s5 =	simm.s32 @!p2 $0x0  }
0x1d: {  	s5 =	simm.s32 @p1 $0x1;
	p0 =	seq.s32 s7, s2  }
0x1e: {  	s7 =	smul.u32 @!p0 $0xF7A, s2;
	p2 =	seq.s32 @!p0 s5, $0x0  }
0x1f: {  	s9 =	smul.u32 $0xF7A, s1;
	s8 =	simm.s32 @!p0 $0x1BF5;
	p2 =	por !p2, p0  }
0x20: {  	[sflag:s8] =	ssyncset.s32 @!p0 $0xFFFFF086;
	s6 =	sadd.s32 @!p0 s3, s7;
	s7 =	simm.s32 @!p0 $0x108  }
0x21: {  	s3 =	sadd.s32 s3, s9;
	s6 =	sadd.s32 @!p0 $0x88, s6;
	s7 =	simm.s32 @p2 $0x1082  }
0x22: {  	[simem:s7], [sflag:s8] =	dma.local @!p0 [hbm:s6], $0xF7A  }
0x23: {  	s9 =	sor.u32 $0xD0000000, s2;
	s6 =	simm.s32 $0x108;
	_ =	swait.ge @!p0 [sflag:s8], $0x0  }
0x24: {  	s3 =	sadd.s32 $0x88, s3;
	s6 =	simm.s32 @!p1 $0x1082;
	[sflag:s4] =	ssyncset.s32 $0xFFFFF086  }
0x25: {  	[simem:s6], [sflag:s4] =	dma.local [hbm:s3], $0xF7A  }
0x26: {  	[smem:$0x3F95] =	sst s1;
	(tag) =	ssettag s2;
	_ =	strace s9  }
0x27: {  	s1 =	sld [smem:$0x3FA5]  }
0x28: {  	s2 =	sld [smem:$0x3FA6]  }
0x29: {  	s4 =	sld [smem:$0x3FA8]  }
0x2a: {  	p0 =	seq.s32 s5, $0x0;
	s5 =	sld [smem:$0x3FA9]  }
0x2b: {  	s6 =	sld [smem:$0x3FAA]  }
0x2c: {  	s7 =	sld [smem:$0x3FAB]  }
0x2d: {  	s3 =	simm.s32 $0x108;
	s8 =	sld [smem:$0x3FAC]  }
0x2e: {  	s3 =	simm.s32 @!p0 $0x1082;
	s9 =	sld [smem:$0x3FAD]  }
0x2f: {  	lr =	sadd.s32 s0, s3;
	s0 =	sld [smem:$0x3FA4]  }
0x30: {  	s3 =	sld [smem:$0x3FA7]  }
0x31: {  	[smem:$0x3FB0] =	sst s10  }
0x32: {  	s10 =	sld [smem:$0x3FAE];
	_ =	sdelay $0x3  }
0x33: {  	p0 =	seq.s32 s10, $0x1;
	s10 =	sld [smem:$0x3FB0];
	_ =	sdelay $0x3  }
0x34: {  	[smem:$0x3FB0] =	sst s10  }
0x35: {  	s10 =	sld [smem:$0x3FAF];
	_ =	sdelay $0x3  }
0x36: {  	p1 =	seq.s32 s10, $0x1;
	s10 =	sld [smem:$0x3FB0];
	_ =	sdelay $0x3  }
0x37: {  	[smem:$0x3FB0] =	sst s10  }
0x38: {  	s10 =	sld [smem:$0x3FB1]  }
0x39: {  	_ = 	snop;
	(pc) =	sbr.ind lr, $3  }
0x3a: {  	_ = 	snop  }
0x3b: {  	_ = 	snop  }
0x3c: {  	p2 =	seq.s32 s10, $0x1;
	s10 =	sld [smem:$0x3FB0]  }
0x3d: {  	_ =	shalt  }
0x3e: {  	_ =	shalt  }
0x3f: {  	_ =	shalt  }
0x40: {  	_ =	shalt  }
0x41: {  	_ =	shalt  }
0x42: {  	_ =	shalt  }
0x43: {  	_ =	shalt  }
0x44: {  	_ =	shalt  }
0x45: {  	_ =	shalt  }
0x46: {  	_ =	shalt  }
0x47: {  	_ =	shalt  }
0x48: {  	_ =	shalt  }
0x49: {  	_ =	shalt  }
0x4a: {  	_ =	shalt  }
0x4b: {  	_ =	shalt  }
0x4c: {  	_ =	shalt  }
0x4d: {  	_ =	shalt  }
0x4e: {  	_ =	shalt  }
0x4f: {  	_ =	shalt  }
0x50: {  	_ =	shalt  }
0x51: {  	_ =	shalt  }
0x52: {  	_ =	shalt  }
0x53: {  	_ =	shalt  }
0x54: {  	_ =	shalt  }
0x55: {  	_ =	shalt  }
0x56: {  	_ =	shalt  }
0x57: {  	_ =	shalt  }
0x58: {  	_ =	shalt  }
0x59: {  	_ =	shalt  }
0x5a: {  	_ =	shalt  }
0x5b: {  	_ =	shalt  }
0x5c: {  	_ =	shalt  }
0x5d: {  	_ =	shalt  }
0x5e: {  	_ =	shalt  }
0x5f: {  	_ =	shalt  }
0x60: {  	_ =	shalt  }
0x61: {  	_ =	shalt  }
0x62: {  	_ =	shalt  }
0x63: {  	_ =	shalt  }
0x64: {  	_ =	shalt  }
0x65: {  	_ =	shalt  }
0x66: {  	_ =	shalt  }
0x67: {  	_ =	shalt  }
0x68: {  	_ =	shalt  }
0x69: {  	_ =	shalt  }
0x6a: {  	_ =	shalt  }
0x6b: {  	_ =	shalt  }
0x6c: {  	_ =	shalt  }
0x6d: {  	_ =	shalt  }
0x6e: {  	_ =	shalt  }
0x6f: {  	_ =	shalt  }
0x70: {  	_ =	shalt  }
0x71: {  	_ =	shalt  }
0x72: {  	_ =	shalt  }
0x73: {  	_ =	shalt  }
0x74: {  	_ =	shalt  }
0x75: {  	_ =	shalt  }
0x76: {  	_ =	shalt  }
0x77: {  	_ =	shalt  }
0x78: {  	_ =	shalt  }
0x79: {  	_ =	shalt  }
0x7a: {  	_ =	shalt  }
0x7b: {  	_ =	shalt  }
0x7c: {  	_ =	shalt  }
0x7d: {  	_ =	shalt  }
0x7e: {  	_ =	shalt  }
0x7f: {  	_ =	shalt  }
0x80: {  	_ =	shalt  }
0x81: {  	_ =	shalt  }
0x82: {  	_ =	shalt  }
0x83: {  	_ =	shalt  }
0x84: {  	_ =	shalt  }
0x85: {  	_ =	shalt  }
0x86: {  	_ =	shalt  }
0x87: {  	_ =	shalt  }
.Lfunc_end0:
.L_simem_size_0:
called_computation.1_lowered:
.L_overlay_start_0:
0x88: {  	s2 =	sld [smem:$0x3FD9]  }
0x89: {  	s3 =	sld [smem:$0x3FFE];
	_ =	sdelay $0x1  }
0x8a: {  	s1 =	srdreg.scid  }
0x8b: {  	s0 =	sand.u32 $0x1, s1  }
0x8c: {  	s17 =	sshll.u32 s0, $0xA;
	s2 =	sadd.s32 s3, s2  }
0x8d: {  	s2 =	sadd.s32 s2, s17  }
0x8e: {  	[smem:$0x3FBC] =	sst s2  }
0x8f: {  	_ = 	snop  }
0x90: {  	s2 =	sld [smem:$0x3FD0];
	(tm) =	ssettm $0x1  }
0x91: {  	s18 =	sld [smem:$0x3FFB];
	_ =	sdelay $0x3  }
0x92: {  	_ =	strace s18  }
0x93: {  	s3 =	sld [smem:$0x3FFC];
	_ =	sdelay $0x3  }
0x94: {  	_ =	strace s3  }
0x95: {  	s3 =	sld [smem:$0x3FFD];
	_ =	sdelay $0x3  }
0x96: {  	_ =	strace s3  }
0x97: {  	_ =	strace $0x8FFFFFFF  }
0x98: {  	s19 =	sld [smem:$0x3FDB];
	_ =	sdelay $0x1  }
0x99: {  	s4 =	simm.s32 $_scs_section_size  }
0x9a: {  	s5 =	simm.s32 $_size__tile_overlayer_lowered;
	s6 =	simm.s32 $_tile_overlayer_lowered  }
0x9b: {  	s22 =	simm.s32 $0x1BFF;
	s21 =	sshll.u32 s6, $0x1;
	s3 =	sadd.s32 s4, s19  }
0x9c: {  	s7 =	simm.s32 $0x0;
	s20 =	sshll.u32 s5, $0x1;
	s5 =	sadd.s32 s21, s3  }
0x9d: {  	[timem:s7], [sflag:s22] =	dma.local [hbm:s5], s20  }
0x9e: {  	_ =	swait.ge [sflag:s22], s20  }
0x9f: {  	s4 =	ssub.s32 $0x0, s20;
	[sflag:s22] =	ssyncset.done $0x0  }
0xa0: {  	[sflag:s22] =	ssyncadd.s32 s4;
	_ =	sdelay $0x1  }
0xa1: {  	s23 =	simm.s32 $0x1B8B  }
0xa2: {  	_ =	swait.ge [sflag:s23], $0x1  }
0xa3: {  	[sflag:s23] =	ssyncset.done $0x0  }
0xa4: {  	s25 =	simm.s32 $0x1B8E;
	s24 =	sld [smem:$0x3FFE];
	[sflag:s23] =	ssyncadd.s32 $0xFFFFFFFF  }
0xa5: {  	s26 =	simm.s32 $execute0_lowered;
	[smem:$0x3FD2] =	sst s25  }
0xa6: {  	s5 =	sshll.u32 s26, $0x1;
	_ =	strace $0x80000046;
	[dreg:$0x1] =	wrdreg $0xFFFFFFFF  }
0xa7: {  	s28 =	simm.s32 $_size_execute0_lowered;
	s3 =	sadd.s32 s3, s5;
	[dreg:$0x0] =	wrdreg $0x0  }
0xa8: {  	s5 =	sshll.u32 s28, $0x1;
	[dreg:$0x2] =	wrdreg s3  }
0xa9: {  	[dreg:$0x3] =	wrdreg s5  }
0xaa: {  	[dreg:$0x4] =	wrdreg $0xC0  }
0xab: {  	_ =	task [dreg:s7], $0x5FFFF  }
0xac: {  	[dreg:$0x1] =	wrdreg $0xFFFFFFFF  }
0xad: {  	[dreg:$0x0] =	wrdreg $0x60  }
0xae: {  	[dreg:$0x2] =	wrdreg s2  }
0xaf: {  	[dreg:$0x3] =	wrdreg s24  }
0xb0: {  	[dreg:$0x4] =	wrdreg $0x9  }
0xb1: {  	_ =	task.clear_ibuf [dreg:s7], $0x5FFFF;
	_ =	strace $0x90000046  }
0xb2: {  	s29 =	simm.s32 $0x9;
	_ =	strace $0x8000004F  }
0xb3: {  	_ =	swait.ge [sflag:s29], $0x1  }
0xb4: {  	[sflag:s29] =	ssyncadd.s32 $0xFFFFFFFF  }
0xb5: {  	_ =	strace $0x9000004F  }
0xb6: {  	_ =	sfence  }
0xb7: {  	s30 =	sld [smem:$0x0];
	_ =	sdelay $0x2  }
0xb8: {  	s31 =	sshll.u32 s1, $0xD;
	s1 =	sshrl.u32 s1, $0x2  }
0xb9: {  	s3 =	sand.u32 $0x4000, s31;
	s1 =	sadd.s32 s1, s30  }
0xba: {  	s0 =	sor.u32 s3, s0;
	s1 =	sshll.u32 s1, $0x11  }
0xbb: {  	s0 =	sor.u32 s1, s0  }
0xbc: {  	s0 =	sadd.s32 $0x8F2B, s0  }
0xbd: {  	[sflag:s0] =	ssyncadd.remote.s32 $0x1  }
0xbe: {  	_ =	sfence.sel $0xFFFF  }
0xbf: {  	[dreg:$0x0] =	wrdreg $0xFFFFFFFF;
	(pc) =	sbr.abs _section_cstart, $3  }
0xc0: {  	[dreg:$0x1] =	wrdreg $0xFFFFFFFF  }
0xc1: {  	_ =	task.clear_ibuf [dreg:s7], $0x2FFFF;
	_ =	strace $0x9FFFFFFF  }
0xc2: {  	(tm) =	ssettm $0x7FFFFFFF  }
0xc3: {  	_ =	shalt  }
tec
execute0_lowered:
.L_overlay_start_1:
0x0: {  	(tag) =	ssettag $0x1  }
0x1: {  	s1 =	srdreg.scid  }
0x2: {  	s1 =	sand.u32 $0x1, s1  }
0x3: {  	p0 =	seq.s32 s1, $0x1  }
.Ltmp0:
0x4: {  	_ = 	snop;
	(pc) =	sbr.rel @p0 .LBB2_2-.Ltmp0, $4  }
0x5: {  	s4 =	rddreg [dreg:$0x0]  }
0x6: {  	s3 =	rddreg [dreg:$0x1];
	s2 =	simm.s32 $0x0  }
0x7: {  	[smem:$0x7FF] =	sst s2  }
0x8: {  	s0 =	rddreg [dreg:$0x2];
	_ =	strace $0x80000047;
	s1 =	stileid.u32  }
0x9: {  	s5 =	sadd.s32 $0x1A00, s3;
	s6 =	sshll.u32 s1, $0x4  }
0xa: {  	_ =	strace $0x80000048;
	s5 =	sadd.s32 s5, s6  }
0xb: {  	[tilespmem:s2], [sflag:$0x1] =	stream.linear.gather [hbm4b:s5+s2], $0x80, $0x200038;
	[tilespmem:$0x10100] =	vst v63  }
0xc: {  	_ =	strace $0x90000048  }
0xd: {  	s10 =	simm.s32 $0x1;
	_ =	strace $0x8000004A  }
0xe: {  	_ =	swait.ge [sflag:s10], $0x80  }
0xf: {  	[sflag:s10] =	ssyncset.done $0x0  }
0x10: {  	[sflag:s10] =	ssyncadd.s32 $0xFFFFFF80  }
0x11: {  	_ =	strace $0x9000004A  }
0x12: {  	_ =	strace $0x8000004B  }
0x13: {  	v0 =	vld [tilespmem:$0x0];
	_ =	sdelay $0x4  }
0x14: {  	v1 =	vshll.u32 v0, $0x1  }
0x15: {  	v2 =	vlaneseq.u32;
	v0 =	vand.u32 $0x7, v0;
	v1 =	vand.u32 $0xFFFFFFF0, v1  }
0x16: {  	v56 =	vand.u32 $0x7, v2;
	v3 =	vshrl.u32 v2, $0x3;
	v0 =	vor.u32 v0, v1  }
0x17: {  	v3 =	vmul.u32 $0x8, v3;
	v4 =	vperm.xlane v0, v56  }
0x18: {  	v2 =	vor.u32 $0x8, v2  }
0x19: {  	v0 =	vperm.xlane v0, v2;
	v4 =	vadd.s32 v3, v4;
	_ =	sdelay $0x1  }
0x1a: {  	v0 =	vadd.s32 v3, v0;
	_ =	sdelay $0x1  }
0x1b: {  	vm0 =	vmmov $0xffff;
	s11 =	simm.s32 $0x100  }
0x1c: {  	[tilespmem:s11], [sflag:$0x5] =	stream.indirect_vreg.gather [hbm4b:s4+s2], $0x80, v4, vm0, $0x2000b8;
	[tilespmem:$0x10100] =	vst v63  }
0x1d: {  	s12 =	simm.s32 $0x900  }
0x1e: {  	[tilespmem:s12], [sflag:$0x5] =	stream.indirect_vreg.gather [hbm4b:s4+s2], $0x80, v0, vm0, $0x2000b8;
	[tilespmem:$0x10100] =	vst v63  }
0x1f: {  	v0 =	vld [tilespmem:$0x10];
	_ =	sdelay $0x4  }
0x20: {  	v57 =	vshll.u32 v0, $0x1  }
0x21: {  	v0 =	vand.u32 $0x7, v0;
	v4 =	vand.u32 $0xFFFFFFF0, v57  }
0x22: {  	v0 =	vor.u32 v0, v4  }
0x23: {  	v4 =	vperm.xlane v0, v56;
	_ =	sdelay $0x1  }
0x24: {  	v0 =	vperm.xlane v0, v2;
	v4 =	vadd.s32 v3, v4;
	_ =	sdelay $0x1  }
0x25: {  	v0 =	vadd.s32 v3, v0;
	_ =	sdelay $0x1  }
0x26: {  	s13 =	simm.s32 $0x1100  }
0x27: {  	[tilespmem:s13], [sflag:$0x5] =	stream.indirect_vreg.gather [hbm4b:s4+s2], $0x80, v4, vm0, $0x2000b8;
	[tilespmem:$0x10100] =	vst v63  }
0x28: {  	s14 =	simm.s32 $0x1900  }
0x29: {  	[tilespmem:s14], [sflag:$0x5] =	stream.indirect_vreg.gather [hbm4b:s4+s2], $0x80, v0, vm0, $0x2000b8;
	[tilespmem:$0x10100] =	vst v63  }
0x2a: {  	v0 =	vld [tilespmem:$0x20];
	_ =	sdelay $0x4  }
0x2b: {  	v58 =	vshll.u32 v0, $0x1  }
0x2c: {  	v0 =	vand.u32 $0x7, v0;
	v4 =	vand.u32 $0xFFFFFFF0, v58  }
0x2d: {  	v0 =	vor.u32 v0, v4  }
0x2e: {  	v4 =	vperm.xlane v0, v56;
	_ =	sdelay $0x1  }
0x2f: {  	v0 =	vperm.xlane v0, v2;
	v4 =	vadd.s32 v3, v4;
	_ =	sdelay $0x1  }
0x30: {  	v0 =	vadd.s32 v3, v0;
	_ =	sdelay $0x1  }
0x31: {  	s15 =	simm.s32 $0x2100  }
0x32: {  	[tilespmem:s15], [sflag:$0x5] =	stream.indirect_vreg.gather [hbm4b:s4+s2], $0x80, v4, vm0, $0x2000b8;
	[tilespmem:$0x10100] =	vst v63  }
0x33: {  	s16 =	simm.s32 $0x2900  }
0x34: {  	[tilespmem:s16], [sflag:$0x5] =	stream.indirect_vreg.gather [hbm4b:s4+s2], $0x80, v0, vm0, $0x2000b8;
	[tilespmem:$0x10100] =	vst v63  }
0x35: {  	v0 =	vld [tilespmem:$0x30];
	_ =	sdelay $0x4  }
0x36: {  	v59 =	vshll.u32 v0, $0x1  }
0x37: {  	v0 =	vand.u32 $0x7, v0;
	v4 =	vand.u32 $0xFFFFFFF0, v59  }
0x38: {  	v0 =	vor.u32 v0, v4  }
0x39: {  	v4 =	vperm.xlane v0, v56;
	_ =	sdelay $0x1  }
0x3a: {  	v0 =	vperm.xlane v0, v2;
	v4 =	vadd.s32 v3, v4;
	_ =	sdelay $0x1  }
0x3b: {  	v0 =	vadd.s32 v3, v0;
	_ =	sdelay $0x1  }
0x3c: {  	s17 =	simm.s32 $0x3100  }
0x3d: {  	[tilespmem:s17], [sflag:$0x5] =	stream.indirect_vreg.gather [hbm4b:s4+s2], $0x80, v4, vm0, $0x2000b8;
	[tilespmem:$0x10100] =	vst v63  }
0x3e: {  	s18 =	simm.s32 $0x3900  }
0x3f: {  	[tilespmem:s18], [sflag:$0x5] =	stream.indirect_vreg.gather [hbm4b:s4+s2], $0x80, v0, vm0, $0x2000b8;
	[tilespmem:$0x10100] =	vst v63  }
0x40: {  	v0 =	vld [tilespmem:$0x40];
	_ =	sdelay $0x4  }
0x41: {  	v60 =	vshll.u32 v0, $0x1  }
0x42: {  	v0 =	vand.u32 $0x7, v0;
	v4 =	vand.u32 $0xFFFFFFF0, v60  }
0x43: {  	v0 =	vor.u32 v0, v4  }
0x44: {  	v4 =	vperm.xlane v0, v56;
	_ =	sdelay $0x1  }
0x45: {  	v0 =	vperm.xlane v0, v2;
	v4 =	vadd.s32 v3, v4;
	_ =	sdelay $0x1  }
0x46: {  	v0 =	vadd.s32 v3, v0;
	_ =	sdelay $0x1  }
0x47: {  	s19 =	simm.s32 $0x4100  }
0x48: {  	[tilespmem:s19], [sflag:$0x5] =	stream.indirect_vreg.gather [hbm4b:s4+s2], $0x80, v4, vm0, $0x2000b8;
	[tilespmem:$0x10100] =	vst v63  }
0x49: {  	s20 =	simm.s32 $0x4900  }
0x4a: {  	[tilespmem:s20], [sflag:$0x5] =	stream.indirect_vreg.gather [hbm4b:s4+s2], $0x80, v0, vm0, $0x2000b8;
	[tilespmem:$0x10100] =	vst v63  }
0x4b: {  	v0 =	vld [tilespmem:$0x50];
	_ =	sdelay $0x4  }
0x4c: {  	v61 =	vshll.u32 v0, $0x1  }
0x4d: {  	v0 =	vand.u32 $0x7, v0;
	v4 =	vand.u32 $0xFFFFFFF0, v61  }
0x4e: {  	v0 =	vor.u32 v0, v4  }
0x4f: {  	v4 =	vperm.xlane v0, v56;
	_ =	sdelay $0x1  }
0x50: {  	v0 =	vperm.xlane v0, v2;
	v4 =	vadd.s32 v3, v4;
	_ =	sdelay $0x1  }
0x51: {  	v0 =	vadd.s32 v3, v0;
	_ =	sdelay $0x1  }
0x52: {  	s21 =	simm.s32 $0x5100  }
0x53: {  	[tilespmem:s21], [sflag:$0x5] =	stream.indirect_vreg.gather [hbm4b:s4+s2], $0x80, v4, vm0, $0x2000b8;
	[tilespmem:$0x10100] =	vst v63  }
0x54: {  	s22 =	simm.s32 $0x5900  }
0x55: {  	[tilespmem:s22], [sflag:$0x5] =	stream.indirect_vreg.gather [hbm4b:s4+s2], $0x80, v0, vm0, $0x2000b8;
	[tilespmem:$0x10100] =	vst v63  }
0x56: {  	v0 =	vld [tilespmem:$0x60];
	_ =	sdelay $0x4  }
0x57: {  	v62 =	vshll.u32 v0, $0x1  }
0x58: {  	v0 =	vand.u32 $0x7, v0;
	v4 =	vand.u32 $0xFFFFFFF0, v62  }
0x59: {  	v0 =	vor.u32 v0, v4  }
0x5a: {  	v4 =	vperm.xlane v0, v56;
	_ =	sdelay $0x1  }
0x5b: {  	v0 =	vperm.xlane v0, v2;
	v4 =	vadd.s32 v3, v4;
	_ =	sdelay $0x1  }
0x5c: {  	v0 =	vadd.s32 v3, v0;
	_ =	sdelay $0x1  }
0x5d: {  	s23 =	simm.s32 $0x6100  }
0x5e: {  	[tilespmem:s23], [sflag:$0x5] =	stream.indirect_vreg.gather [hbm4b:s4+s2], $0x80, v4, vm0, $0x2000b8;
	[tilespmem:$0x10100] =	vst v63  }
0x5f: {  	s24 =	simm.s32 $0x6900  }
0x60: {  	[tilespmem:s24], [sflag:$0x5] =	stream.indirect_vreg.gather [hbm4b:s4+s2], $0x80, v0, vm0, $0x2000b8;
	[tilespmem:$0x10100] =	vst v63  }
0x61: {  	v0 =	vld [tilespmem:$0x70];
	_ =	sdelay $0x4  }
0x62: {  	v63 =	vshll.u32 v0, $0x1  }
0x63: {  	v0 =	vand.u32 $0x7, v0;
	v4 =	vand.u32 $0xFFFFFFF0, v63  }
0x64: {  	v0 =	vor.u32 v0, v4  }
0x65: {  	v1 =	vperm.xlane v0, v56;
	_ =	sdelay $0x1  }
0x66: {  	v0 =	vperm.xlane v0, v2;
	v1 =	vadd.s32 v3, v1;
	_ =	sdelay $0x1  }
0x67: {  	v0 =	vadd.s32 v3, v0;
	_ =	sdelay $0x1  }
0x68: {  	s25 =	simm.s32 $0x7100  }
0x69: {  	[tilespmem:s25], [sflag:$0x5] =	stream.indirect_vreg.gather [hbm4b:s4+s2], $0x80, v1, vm0, $0x2000b8;
	[tilespmem:$0x10100] =	vst v63  }
0x6a: {  	s26 =	simm.s32 $0x7900;
	s28 =	simm.s32 $0x5  }
0x6b: {  	[tilespmem:s26], [sflag:$0x5] =	stream.indirect_vreg.gather [hbm4b:s4+s2], $0x80, v0, vm0, $0x2000b8;
	[tilespmem:$0x10100] =	vst v63  }
0x6c: {  	_ =	swait.ge [sflag:s28], $0x8000  }
0x6d: {  	[sflag:s28] =	ssyncset.done $0x0  }
0x6e: {  	[sflag:s28] =	ssyncadd.s32 $0xFFFF8000  }
0x6f: {  	s29 =	sadd.s32 $0x1C00, s3;
	s30 =	sshll.u32 s1, $0xC;
	_ =	strace $0x9000004B  }
0x70: {  	s3 =	sadd.s32 s29, s30;
	_ =	strace $0x8000004C  }
0x71: {  	[hbm4b:s3+s2] =	stream.linear.scatter [tilespmem:s11], [sflag:$0x3], $0x8000, $0x200038;
	[tilespmem:$0x10100] =	vst v63  }
0x72: {  	_ =	strace $0x9000004C  }
0x73: {  	s31 =	simm.s32 $0x3;
	_ =	strace $0x8000004E  }
0x74: {  	_ =	swait.ge [sflag:s31], $0x8000  }
0x75: {  	[sflag:s31] =	ssyncset.done $0x0  }
0x76: {  	[sflag:s31] =	ssyncadd.s32 $0xFFFF8000  }
0x77: {  	_ =	strace $0x9000004E  }
.LBB2_2:
0x78: {  	_ =	sfence.sel $0x180000  }
0x79: {  	[bflag:$0x0] =	sbarrier.arrive $0xFFFF  }
0x7a: {  	p0 =	sne.s32 s1, $0x0;
	_ =	strace $0x90000047  }
0x7b: {  	s0 =	sadd.s32 @!p0 $0x100000, s0;
	[bflag:$0x2] =	sbarrier.arrive $0xFFFF  }
0x7c: {  	[sflag:s0] =	ssyncadd.tile.s32 @!p0 $0x1;
	_ =	shalt  }
.Lfunc_end2:
_tile_overlayer_lowered:
.L_overlay_start_2:
0x7d: {  	(tag) =	ssettag $0x2  }
0x7e: {  	s0 =	rddreg [dreg:$0x0];
	s2 =	stileid.u32  }
0x7f: {  	s1 =	rddreg [dreg:$0x1];
	p0 =	sne.s32 s2, $0x0  }
0x80: {  	s3 =	rddreg [dreg:$0x2];
	[bflag:$0x3] =	sbarrier.arrive $0xFFFF;
	s2 =	simm.s32 @!p0 $0x1C01  }
0x81: {  	[timem:s3], [sflag:s2] =	dma.local @!p0 [hbm:s0], s1  }
0x82: {  	s0 =	simm.s32 @!p0 $0x1  }
0x83: {  	_ =	swait.ge @!p0 [sflag:s0], s1  }
0x84: {  	s1 =	ssub.s32 @!p0 $0x0, s1;
	[sflag:s0] =	ssyncset.done @!p0 $0x0  }
0x85: {  	[sflag:s0] =	ssyncadd.s32 @!p0 s1  }
0x86: {  	[bflag:$0x3] =	sbarrier.arrive $0xFFFF  }
0x87: {  	_ =	shalt  }

// kernel: sparse-core-data-format-call.cloned.1.call-start
scs
called_computation_lowered:
.L_overlay_start_0:
0x0: {  	s2 =	sld [smem:$0x3FD9]  }
0x1: {  	s3 =	sld [smem:$0x3FFE];
	_ =	sdelay $0x1  }
0x2: {  	s1 =	srdreg.scid  }
0x3: {  	s0 =	sand.u32 $0x1, s1  }
0x4: {  	s18 =	sshll.u32 s0, $0xA;
	s2 =	sadd.s32 s3, s2  }
0x5: {  	s2 =	sadd.s32 s2, s18  }
0x6: {  	[smem:$0x3FBC] =	sst s2  }
0x7: {  	_ = 	snop  }
0x8: {  	s2 =	sld [smem:$0x3FD0];
	(tm) =	ssettm $0x1  }
0x9: {  	s19 =	sld [smem:$0x3FFB];
	_ =	sdelay $0x3  }
0xa: {  	_ =	strace s19  }
0xb: {  	s3 =	sld [smem:$0x3FFC];
	_ =	sdelay $0x3  }
0xc: {  	_ =	strace s3  }
0xd: {  	s3 =	sld [smem:$0x3FFD];
	_ =	sdelay $0x3  }
0xe: {  	_ =	strace s3  }
0xf: {  	_ =	strace $0x8FFFFFFF  }
0x10: {  	s20 =	sld [smem:$0x3FDB];
	_ =	sdelay $0x1  }
0x11: {  	s4 =	simm.s32 $_scs_section_size  }
0x12: {  	s5 =	simm.s32 $_size__tile_overlayer_lowered;
	s6 =	simm.s32 $_tile_overlayer_lowered  }
0x13: {  	s23 =	simm.s32 $0x1BFF;
	s22 =	sshll.u32 s6, $0x1;
	s3 =	sadd.s32 s4, s20  }
0x14: {  	s7 =	simm.s32 $0x0;
	s21 =	sshll.u32 s5, $0x1;
	s5 =	sadd.s32 s22, s3  }
0x15: {  	[timem:s7], [sflag:s23] =	dma.local [hbm:s5], s21  }
0x16: {  	_ =	swait.ge [sflag:s23], s21  }
0x17: {  	s4 =	ssub.s32 $0x0, s21;
	[sflag:s23] =	ssyncset.done $0x0  }
0x18: {  	[sflag:s23] =	ssyncadd.s32 s4;
	_ =	sdelay $0x1  }
0x19: {  	s24 =	simm.s32 $0x1B8B  }
0x1a: {  	_ =	swait.ge [sflag:s24], $0x1  }
0x1b: {  	[sflag:s24] =	ssyncset.done $0x0  }
0x1c: {  	s26 =	simm.s32 $0x1B8E;
	s25 =	sld [smem:$0x3FFE];
	[sflag:s24] =	ssyncadd.s32 $0xFFFFFFFF  }
0x1d: {  	s27 =	simm.s32 $execute0_lowered;
	[smem:$0x3FD2] =	sst s26  }
0x1e: {  	s5 =	sshll.u32 s27, $0x1;
	_ =	strace $0x80000050;
	[dreg:$0x1] =	wrdreg $0xFFFFFFFF  }
0x1f: {  	s28 =	simm.s32 $_size_execute0_lowered;
	s3 =	sadd.s32 s3, s5;
	[dreg:$0x0] =	wrdreg $0x0  }
0x20: {  	s5 =	sshll.u32 s28, $0x1;
	[dreg:$0x2] =	wrdreg s3  }
0x21: {  	[dreg:$0x3] =	wrdreg s5  }
0x22: {  	[dreg:$0x4] =	wrdreg $0xC0  }
0x23: {  	_ =	task [dreg:s7], $0x5FFFF  }
0x24: {  	[dreg:$0x1] =	wrdreg $0xFFFFFFFF  }
0x25: {  	[dreg:$0x0] =	wrdreg $0x60  }
0x26: {  	[dreg:$0x2] =	wrdreg s25  }
0x27: {  	[dreg:$0x3] =	wrdreg s2  }
0x28: {  	[dreg:$0x4] =	wrdreg $0x9  }
0x29: {  	_ =	task.clear_ibuf [dreg:s7], $0x5FFFF;
	_ =	strace $0x90000050  }
0x2a: {  	s29 =	simm.s32 $0x9;
	_ =	strace $0x80000052  }
0x2b: {  	_ =	swait.ge [sflag:s29], $0x1  }
0x2c: {  	[sflag:s29] =	ssyncadd.s32 $0xFFFFFFFF  }
0x2d: {  	_ =	strace $0x90000052  }
0x2e: {  	_ =	sfence  }
0x2f: {  	s30 =	sld [smem:$0x0];
	_ =	sdelay $0x2  }
0x30: {  	s31 =	sshll.u32 s1, $0xD;
	s1 =	sshrl.u32 s1, $0x2  }
0x31: {  	s3 =	sand.u32 $0x4000, s31;
	s1 =	sadd.s32 s1, s30  }
0x32: {  	s0 =	sor.u32 s3, s0;
	s1 =	sshll.u32 s1, $0x11  }
0x33: {  	s0 =	sor.u32 s1, s0  }
0x34: {  	s0 =	sadd.s32 $0x8F2B, s0  }
0x35: {  	[sflag:s0] =	ssyncadd.remote.s32 $0x1  }
0x36: {  	_ =	sfence.sel $0xFFFF  }
0x37: {  	[dreg:$0x0] =	wrdreg $0xFFFFFFFF;
	(pc) =	sbr.abs _section_cstart, $3  }
0x38: {  	[dreg:$0x1] =	wrdreg $0xFFFFFFFF  }
0x39: {  	_ =	task.clear_ibuf [dreg:s7], $0x2FFFF;
	_ =	strace $0x9FFFFFFF  }
0x3a: {  	(tm) =	ssettm $0x7FFFFFFF  }
0x3b: {  	_ =	shalt  }
tec
execute0_lowered:
.L_overlay_start_1:
0x0: {  	(tag) =	ssettag $0x1  }
0x1: {  	s0 =	stileid.u32  }
0x2: {  	s1 =	srdreg.scid;
	s7 =	rddreg [dreg:$0x0];
	s31 =	simm.s32 $0x2  }
0x3: {  	s15 =	simm.s32 $0x0;
	s10 =	simm.s32 $0x0;
	s16 =	simm.s32 $0x0  }
0x4: {  	s17 =	simm.s32 $0x0;
	s12 =	simm.s32 $0x0;
	s14 =	simm.s32 $0x0  }
0x5: {  	s2 =	sshll.u32 s0, $0x2;
	s3 =	sshll.u32 s0, $0x4;
	s4 =	sshll.u32 s1, $0x8  }
0x6: {  	s7 =	sadd.s32 $0x1A00, s7;
	s1 =	sand.u32 $0x1C, s2;
	s29 =	sor.u32 s3, s4  }
0x7: {  	s3 =	rddreg [dreg:$0x1];
	s2 =	sand.u32 $0x180, s29;
	s30 =	ssub.s32 $0x20, s1  }
0x8: {  	s5 =	sand.u32 $0x1C, s30;
	s6 =	ssub.s32 $0x2000, s2;
	s9 =	sshrl.u32 s30, $0x5  }
0x9: {  	p0 =	sne.s32 s5, $0x0;
	s5 =	simm.s32 $0x1;
	s8 =	sand.u32 $0x180, s6  }
0xa: {  	s5 =	simm.s32 @!p0 $0x0;
	p0 =	sne.s32 s8, $0x0;
	s8 =	simm.s32 $0x1  }
.Ltmp0:
0xb: {  	s6 =	sshrl.u32 s6, $0x9;
	s8 =	simm.s32 @!p0 $0x0;
	(pc) =	sbr.rel .LBB1_1-.Ltmp0, $4  }
0xc: {  	s4 =	rddreg [dreg:$0x2];
	s9 =	sadd.s32 s5, s9;
	s6 =	sadd.s32 s8, s6  }
0xd: {  	_ =	strace $0x80000051;
	s5 =	simm.s32 $0x1;
	s6 =	smul.u32 s9, s6  }
0xe: {  	s13 =	smov.u32 s1;
	s11 =	smov.u32 s2;
	[sflag:s5] =	ssyncpa.u1 $0x0  }
0xf: {  	[sflag:s31] =	ssyncpa.u1 $0x0;
	s9 =	simm.s32 $0x40000;
	s8 =	sadd.s32 $0x1, s6  }
.LBB1_7:
0x10: {  	s18 =	sadd.s32 $0x200, s11  }
0x11: {  	s15 =	sadd.s32 $0x20, s12;
	s19 =	smov.u32 s12;
	p1 =	sgt.s32 s18, $0x1FFF  }
0x12: {  	s19 =	smov.u32 @p1 s15  }
0x13: {  	s21 =	smov.u32 s13;
	s15 =	sadd.s32 $0x20, s13;
	p2 =	sgt.s32 s19, $0x1F  }
0x14: {  	s21 =	smov.u32 @p2 s15  }
0x15: {  	s18 =	smov.u32 @p1 s2;
	p1 =	sgt.s32 s21, $0x1F  }
0x16: {  	p0 =	slt.u32 s14, $0x2;
	s21 =	smov.u32 @p1 s1;
	p1 =	sne.s32 s14, s8  }
.Ltmp1:
0x17: {  	s20 =	simm.s32 @!p0 $0x2;
	(pc) =	sbr.rel @!p1 .LBB1_8-.Ltmp1, $4  }
0x18: {  	s16 =	smov.u32 s12;
	s17 =	smov.u32 s13;
	_ =	swait.ge @!p0 [sflag:s20], $0x4000  }
0x19: {  	s10 =	sadd.s32 $0x4000, s10;
	[sflag:s20] =	ssyncset.done @!p0 $0x0;
	s19 =	simm.s32 @p2 $0x0  }
0x1a: {  	s15 =	smov.u32 s11;
	[sflag:s20] =	ssyncadd.s32 @!p0 $0xFFFFC000;
	s11 =	smov.u32 s18  }
0x1b: {  	s12 =	smov.u32 s19;
	s14 =	sadd.s32 $0x1, s14;
	s13 =	smov.u32 s21  }
.LBB1_1:
0x1c: {  	p0 =	sge.u32 s14, s6;
	s31 =	sadd.s32 $0xFFFFFFFF, s14  }
0x1d: {  	s18 =	sxor.u32 @!p0 $0xFFFFFFFF, s14;
	s19 =	sand.u32 @!p0 $0x78, s11;
	s20 =	sshll.u32 @!p0 s12, $0xD  }
0x1e: {  	s21 =	sshll.u32 @!p0 s12, $0x7;
	s22 =	sshll.u32 @!p0 s11, $0x3;
	s18 =	sshll.u32 @!p0 s18, $0xE  }
0x1f: {  	s20 =	sand.u32 @!p0 $0x30000, s20;
	s21 =	sand.u32 @!p0 $0x380, s21;
	s18 =	sand.u32 @!p0 $0x4000, s18  }
0x20: {  	s20 =	sadd.s32 @!p0 s20, s22;
	s22 =	sand.u32 @!p0 $0x1C00, s22;
	s19 =	sor.u32 @!p0 s21, s19  }
0x21: {  	s21 =	sshll.u32 @!p0 s13, $0xF;
	s19 =	sor.u32 @!p0 s22, s19;
	s20 =	sshrl.u32 @!p0 s20, $0x3  }
0x22: {  	s21 =	sadd.s32 @!p0 s7, s21;
	s22 =	sand.u32 @!p0 $0x7, s11;
	s20 =	sand.u32 @!p0 $0x7C00, s20  }
0x23: {  	s19 =	sshrl.u32 @!p0 s19, $0x3;
	s20 =	sadd.s32 @!p0 s20, s21;
	s21 =	sshll.u32 @!p0 s22, $0x12  }
0x24: {  	s19 =	sadd.s32 @!p0 s19, s20;
	s20 =	sor.u32 @!p0 $0x400, s21;
	s21 =	simm.s32 @!p0 $0x10000  }
0x25: {  	[tilespmem:s18], [sflag:$0x1] =	stream.strided.gather @!p0 [hbm4b:s19+s20], $0x4000, s21, s20, $0x38;
	[tilespmem:$0x10000] =	vst v63  }
0x26: {  	p0 =	sge.u32 s31, s6  }
.Ltmp2:
0x27: {  	_ = 	snop;
	(pc) =	sbr.rel @p0 .LBB1_7-.Ltmp2, $1  }
0x28: {  	_ =	sdelay $0x3  }
0x29: {  	s18 =	sand.u32 $0x4000, s10  }
0x2a: {  	_ =	swait.ge [sflag:s5], $0x4000;
	s21 =	sshll.u32 s14, $0xE;
	s19 =	sor.u32 $0x8040, s18  }
0x2b: {  	s20 =	sor.u32 $0x40, s18;
	[sflag:s5] =	ssyncset.done $0x0;
	s31 =	sand.u32 $0x4000, s21  }
0x2c: {  	s21 =	simm.s32 $0x0;
	[sflag:s5] =	ssyncadd.s32 $0xFFFFC000;
	s18 =	sor.u32 $0x8000, s31  }
.LBB1_3:
0x2d: {  	v0 =	vmov s20;
	_ =	sdelay $0x3  }
0x2e: {  	s23 =	simm.s32 $0x0  }
0x2f: {  	v6 =	vld.idx.msk [tilespmem:v0+s23+$0x30 ss:$0x1], $0xffff  }
0x30: {  	v7 =	vld.idx.msk [tilespmem:v0+s23+$0xFFFFFFC0 ss:$0x1], $0xffff  }
0x31: {  	v5 =	vld.idx.msk [tilespmem:v0+s23+$0xFFFFFFD0 ss:$0x1], $0xffff  }
0x32: {  	v4 =	vld.idx.msk [tilespmem:v0+s23+$0xFFFFFFE0 ss:$0x1], $0xffff  }
0x33: {  	v3 =	vld.idx.msk [tilespmem:v0+s23+$0xFFFFFFF0 ss:$0x1], $0xffff  }
0x34: {  	v1 =	vld.idx.msk [tilespmem:v0+s23+$0x0 ss:$0x1], $0xffff  }
0x35: {  	v2 =	vld.idx.msk [tilespmem:v0+s23+$0x10 ss:$0x1], $0xffff;
	[tilespmem:s19+$0x30] =	vst v6  }
0x36: {  	s22 =	simm.s32 $0x80;
	s24 =	simm.s32 $0x400;
	[tilespmem:s19+$0xFFFFFFC0] =	vst v7;
	v6 =	vld.idx.msk [tilespmem:v0+s23+$0x20 ss:$0x1], $0xffff;
	s23 =	smov.u32 s19  }
.LBB1_4:
0x37: {  	p0 =	sne.s32 s24, $0x3E00;
	v7 =	vld.idx.msk [tilespmem:v0+s22+$0x30 ss:$0x1], $0xffff;
	[tilespmem:s23+$0xFFFFFFD0] =	vst v5  }
0x38: {  	v8 =	vld.idx.msk [tilespmem:v0+s22+$0xFFFFFFC0 ss:$0x1], $0xffff;
	[tilespmem:s23+$0xFFFFFFE0] =	vst v4  }
0x39: {  	v5 =	vld.idx.msk [tilespmem:v0+s22+$0xFFFFFFD0 ss:$0x1], $0xffff;
	[tilespmem:s23+$0xFFFFFFF0] =	vst v3  }
.Ltmp3:
0x3a: {  	v4 =	vld.idx.msk [tilespmem:v0+s22+$0xFFFFFFE0 ss:$0x1], $0xffff;
	[tilespmem:s23+$0x0] =	vst v1;
	(pc) =	sbr.rel @p0 .LBB1_4-.Ltmp3, $4  }
0x3b: {  	v3 =	vld.idx.msk [tilespmem:v0+s22+$0xFFFFFFF0 ss:$0x1], $0xffff;
	[tilespmem:s23+$0x10] =	vst v2  }
0x3c: {  	v1 =	vld.idx.msk [tilespmem:v0+s22+$0x0 ss:$0x1], $0xffff;
	[tilespmem:s23+$0x20] =	vst v6;
	s23 =	sadd.s32 $0x200, s23  }
0x3d: {  	v2 =	vld.idx.msk [tilespmem:v0+s22+$0x10 ss:$0x1], $0xffff;
	[tilespmem:s23+$0x30] =	vst v7  }
0x3e: {  	[tilespmem:s23+$0xFFFFFFC0] =	vst v8;
	v6 =	vld.idx.msk [tilespmem:v0+s22+$0x20 ss:$0x1], $0xffff;
	s22 =	sshra.s32 s24, $0x2;
	s24 =	sadd.s32 $0x200, s24  }
0x3f: {  	_ =	sdelay $0x2  }
0x40: {  	[tilespmem:s23+$0xFFFFFFD0] =	vst v5  }
0x41: {  	v56 =	vld.idx.msk [tilespmem:v0+s22+$0x30 ss:$0x1], $0xffff;
	[tilespmem:s23+$0xFFFFFFE0] =	vst v4  }
0x42: {  	v57 =	vld.idx.msk [tilespmem:v0+s22+$0xFFFFFFC0 ss:$0x1], $0xffff;
	[tilespmem:s23+$0xFFFFFFF0] =	vst v3  }
0x43: {  	v58 =	vld.idx.msk [tilespmem:v0+s22+$0xFFFFFFD0 ss:$0x1], $0xffff;
	[tilespmem:s23+$0x0] =	vst v1  }
0x44: {  	v59 =	vld.idx.msk [tilespmem:v0+s22+$0xFFFFFFE0 ss:$0x1], $0xffff;
	[tilespmem:s23+$0x10] =	vst v2  }
0x45: {  	v60 =	vld.idx.msk [tilespmem:v0+s22+$0xFFFFFFF0 ss:$0x1], $0xffff;
	s31 =	sadd.s32 $0x200, s23;
	[tilespmem:s23+$0x20] =	vst v6  }
0x46: {  	v61 =	vld.idx.msk [tilespmem:v0+s22+$0x0 ss:$0x1], $0xffff;
	[tilespmem:s31+$0x30] =	vst v56  }
0x47: {  	v62 =	vld.idx.msk [tilespmem:v0+s22+$0x10 ss:$0x1], $0xffff;
	s21 =	sadd.s32 $0x1, s21;
	[tilespmem:s31+$0xFFFFFFC0] =	vst v57  }
0x48: {  	v63 =	vld.idx.msk [tilespmem:v0+s22+$0x20 ss:$0x1], $0xffff;
	p0 =	sne.s32 s21, $0x4;
	[tilespmem:s31+$0xFFFFFFD0] =	vst v58  }
.Ltmp4:
0x49: {  	[tilespmem:s31+$0xFFFFFFE0] =	vst v59;
	(pc) =	sbr.rel @p0 .LBB1_3-.Ltmp4, $4  }
0x4a: {  	[tilespmem:s31+$0xFFFFFFF0] =	vst v60  }
0x4b: {  	[tilespmem:s31+$0x0] =	vst v61  }
0x4c: {  	[tilespmem:s31+$0x10] =	vst v62  }
0x4d: {  	s19 =	sadd.s32 $0x80, s19;
	s20 =	sadd.s32 $0x1000, s20;
	[tilespmem:s31+$0x20] =	vst v63  }
0x4e: {  	s19 =	sand.u32 $0x78, s15  }
0x4f: {  	s20 =	sshll.u32 s17, $0xD;
	s29 =	sshll.u32 s17, $0x7;
	s21 =	sshll.u32 s15, $0x3  }
0x50: {  	s16 =	sshll.u32 s16, $0xF;
	s31 =	sand.u32 $0x7, s15;
	s20 =	sand.u32 $0x30000, s20  }
0x51: {  	s17 =	sand.u32 $0x380, s29;
	s20 =	sadd.s32 s20, s21;
	s21 =	sand.u32 $0x1C00, s21  }
.Ltmp5:
0x52: {  	s17 =	sor.u32 s17, s19;
	s30 =	sshrl.u32 s20, $0x3;
	(pc) =	sbr.rel .LBB1_7-.Ltmp5, $4  }
0x53: {  	s16 =	sadd.s32 s3, s16;
	s17 =	sor.u32 s21, s17;
	s19 =	sand.u32 $0x7C00, s30  }
0x54: {  	s15 =	sshll.u32 s31, $0x12;
	s17 =	sshrl.u32 s17, $0x3;
	s16 =	sadd.s32 s19, s16  }
0x55: {  	s15 =	sor.u32 $0x200, s15;
	s16 =	sadd.s32 s17, s16  }
0x56: {  	[hbm4b:s16+s15] =	stream.strided.scatter [tilespmem:s18], [sflag:$0x2], $0x4000, s9, s15, $0x38;
	[tilespmem:$0x10000] =	vst v63  }
.LBB1_8:
0x57: {  	_ =	sfence.sel $0x180000  }
0x58: {  	s1 =	simm.s32 $0x1;
	[bflag:$0x0] =	sbarrier.arrive $0xFFFF  }
0x59: {  	s31 =	simm.s32 $0x2;
	[sflag:s1] =	ssyncpa.u1 $0x1  }
0x5a: {  	[sflag:s31] =	ssyncpa.u1 $0x1  }
0x5b: {  	p0 =	sne.s32 s0, $0x0;
	_ =	strace $0x90000051  }
0x5c: {  	s0 =	sadd.s32 @!p0 $0x100000, s4;
	[bflag:$0x2] =	sbarrier.arrive $0xFFFF  }
0x5d: {  	[sflag:s0] =	ssyncadd.tile.s32 @!p0 $0x1;
	_ =	shalt  }
.Lfunc_end1:
_tile_overlayer_lowered:
.L_overlay_start_2:
0x5e: {  	(tag) =	ssettag $0x2  }
0x5f: {  	s0 =	rddreg [dreg:$0x0];
	s2 =	stileid.u32  }
0x60: {  	s1 =	rddreg [dreg:$0x1];
	p0 =	sne.s32 s2, $0x0  }
0x61: {  	s3 =	rddreg [dreg:$0x2];
	[bflag:$0x3] =	sbarrier.arrive $0xFFFF;
	s2 =	simm.s32 @!p0 $0x1C01  }
0x62: {  	[timem:s3], [sflag:s2] =	dma.local @!p0 [hbm:s0], s1  }
0x63: {  	s0 =	simm.s32 @!p0 $0x1  }
0x64: {  	_ =	swait.ge @!p0 [sflag:s0], s1  }
0x65: {  	s1 =	ssub.s32 @!p0 $0x0, s1;
	[sflag:s0] =	ssyncset.done @!p0 $0x0  }
0x66: {  	[sflag:s0] =	ssyncadd.s32 @!p0 s1  }
0x67: {  	[bflag:$0x3] =	sbarrier.arrive $0xFFFF  }
0x68: {  	_ =	shalt  }

</sc_bundles>
